<compile_context>
chip_gen: v7x
topology: tpu7x:2x2x1
jax: 0.10.2.dev20260603
libtpu: 0.0.44.dev20260713+nightly
codegen_flags: <defaults>
</compile_context>

<pallas_src>
import functools

import jax
import jax.numpy as jnp
from jax import lax
from jax.experimental import pallas as pl
from jax.experimental.pallas import tpu as pltpu
from jax.experimental.pallas import tpu_sc as plsc

_NC, _NS, _L = 2, 16, 16
_NW = _NC * _NS
_N = 2048
_NVR = _N // _L
_CHUNK_ROWS = 16
_UF = 8
_N_ITERS = 6

_ZV = functools.partial(jnp.zeros, (_L,), jnp.float32)

_GATHER_DNUMS = lax.GatherDimensionNumbers(
    offset_dims=(), collapsed_slice_dims=(0,), start_index_map=(0,))


def _lane_gather(v, idx):
    return lax.gather(v, idx[:, None], _GATHER_DNUMS, slice_sizes=(1,),
                      mode=lax.GatherScatterMode.PROMISE_IN_BOUNDS)


def _lane_allreduce(v, op):
    idx = lax.iota(jnp.int32, _L)
    for shift in (1, 2, 4, 8):
        v = op(v, _lane_gather(v, lax.bitwise_xor(idx, shift)))
    return v


def _row_reduce(xv, row_off, fn):
    def body(j, accs):
        a0, a1, a2, a3 = accs
        off = row_off + j * (_L * _UF)
        a0 = a0 + fn(xv[pl.ds(off + 0 * _L, _L)])
        a1 = a1 + fn(xv[pl.ds(off + 1 * _L, _L)])
        a2 = a2 + fn(xv[pl.ds(off + 2 * _L, _L)])
        a3 = a3 + fn(xv[pl.ds(off + 3 * _L, _L)])
        a0 = a0 + fn(xv[pl.ds(off + 4 * _L, _L)])
        a1 = a1 + fn(xv[pl.ds(off + 5 * _L, _L)])
        a2 = a2 + fn(xv[pl.ds(off + 6 * _L, _L)])
        a3 = a3 + fn(xv[pl.ds(off + 7 * _L, _L)])
        return a0, a1, a2, a3

    a0, a1, a2, a3 = lax.fori_loop(0, _NVR // _UF, body,
                                   (_ZV(), _ZV(), _ZV(), _ZV()))
    return (a0 + a1) + (a2 + a3)


def _sc_body(x_hbm, o_hbm, xv, ov):
    wid = lax.axis_index("s") * _NC + lax.axis_index("c")
    rows_total = x_hbm.shape[0] // _N
    rpw = rows_total // _NW
    nchunks = rpw // _CHUNK_ROWS
    base = wid * rpw

    def chunk_body(c, _c):
        row0 = (base + c * _CHUNK_ROWS) * _N
        pltpu.sync_copy(x_hbm.at[pl.ds(row0, _CHUNK_ROWS * _N)], xv)

        def row_body(r, _r):
            off = r * _N

            def max_b(j, accs):
                a0, a1, a2, a3 = accs
                o = off + j * (_L * _UF)
                a0 = jnp.maximum(a0, xv[pl.ds(o + 0 * _L, _L)])
                a1 = jnp.maximum(a1, xv[pl.ds(o + 1 * _L, _L)])
                a2 = jnp.maximum(a2, xv[pl.ds(o + 2 * _L, _L)])
                a3 = jnp.maximum(a3, xv[pl.ds(o + 3 * _L, _L)])
                a0 = jnp.maximum(a0, xv[pl.ds(o + 4 * _L, _L)])
                a1 = jnp.maximum(a1, xv[pl.ds(o + 5 * _L, _L)])
                a2 = jnp.maximum(a2, xv[pl.ds(o + 6 * _L, _L)])
                a3 = jnp.maximum(a3, xv[pl.ds(o + 7 * _L, _L)])
                return a0, a1, a2, a3

            v0 = xv[pl.ds(off, _L)]
            a0, a1, a2, a3 = lax.fori_loop(0, _NVR // _UF, max_b,
                                           (v0, v0, v0, v0))
            mx = _lane_allreduce(
                jnp.maximum(jnp.maximum(a0, a1), jnp.maximum(a2, a3)),
                jnp.maximum)
            lo = mx - 1.0
            hi = mx

            def pass_b(t, lohi):
                lo, hi = lohi
                mid = 0.5 * (lo + hi)
                a = _row_reduce(xv, off,
                                lambda v: jnp.maximum(v - mid, 0.0))
                f = _lane_allreduce(a, jnp.add)
                gt = f > 1.0
                return jnp.where(gt, mid, lo), jnp.where(gt, hi, mid)

            lo, hi = lax.fori_loop(0, _N_ITERS, pass_b, (lo, hi))

            def newton(t):
                def body(j, accs):
                    s0, s1, k0, k1 = accs
                    o = off + j * (_L * _UF)
                    for u in range(_UF):
                        v = xv[pl.ds(o + u * _L, _L)]
                        m = v > t
                        if u % 2 == 0:
                            s0 = s0 + jnp.where(m, v, 0.0)
                            k0 = k0 + jnp.where(m, 1.0, 0.0)
                        else:
                            s1 = s1 + jnp.where(m, v, 0.0)
                            k1 = k1 + jnp.where(m, 1.0, 0.0)
                    return s0, s1, k0, k1

                s0, s1, k0, k1 = lax.fori_loop(
                    0, _NVR // _UF, body, (_ZV(), _ZV(), _ZV(), _ZV()))
                ss = _lane_allreduce(s0 + s1, jnp.add)
                kk = _lane_allreduce(k0 + k1, jnp.add)
                return jnp.clip((ss - 1.0) / kk, t, hi)

            tau = newton(newton(lo))

            def out_b(j, _o):
                o = off + j * (_L * _UF)
                for u in range(_UF):
                    ou = o + u * _L
                    ov[pl.ds(ou, _L)] = jnp.maximum(
                        xv[pl.ds(ou, _L)] - tau, 0.0)
                return 0
            lax.fori_loop(0, _NVR // _UF, out_b, 0)
            return 0

        lax.fori_loop(0, _CHUNK_ROWS, row_body, 0)
        pltpu.sync_copy(ov, o_hbm.at[pl.ds(row0, _CHUNK_ROWS * _N)])
        return 0

    lax.fori_loop(0, nchunks, chunk_body, 0)


def kernel(input):
    orig_shape = input.shape
    n = orig_shape[-1]
    x1 = input.reshape(-1)
    rows = x1.shape[0] // n
    mesh = plsc.VectorSubcoreMesh(core_axis_name="c", subcore_axis_name="s")
    out = pl.kernel(
        _sc_body,
        mesh=mesh,
        out_type=jax.ShapeDtypeStruct((rows * n,), jnp.float32),
        scratch_types=[
            pltpu.VMEM((_CHUNK_ROWS * _N,), jnp.float32),
            pltpu.VMEM((_CHUNK_ROWS * _N,), jnp.float32),
        ],
    )(x1)
    return out.reshape(orig_shape)

# --- scband reference (transcript-rebuilt; emitter-appended) ---
"""Pipeline reference for scband-sparsemax-1580547973452 (READ-ONLY COPY).

The authoritative reference and input builder live on the scoring server;
editing this copy changes nothing except your own understanding.
"""

import jax, jax.numpy as jnp
import numpy as np


def setup_inputs(seed: int = 0) -> dict:
    key = jax.random.key(seed)
    x = jax.random.normal(key, (4, 2048, 2048), dtype=jnp.float32)
    return {"input": x}


def reference(input):
    original_shape = input.shape
    inp = input.reshape(-1, input.shape[-1])
    number_of_logits = inp.shape[1]
    # subtract row max for numerical stability
    inp = inp - jnp.max(inp, axis=1, keepdims=True)
    # sort descending
    zs = jnp.sort(inp, axis=1)[:, ::-1]
    # torch.range(1, n) is inclusive -> arange(1, n+1)
    rng = jnp.arange(1, number_of_logits + 1, dtype=inp.dtype).reshape(1, -1)
    rng = jnp.broadcast_to(rng, zs.shape)
    bound = 1 + rng * zs
    cumulative_sum_zs = jnp.cumsum(zs, axis=1)
    is_gt = (bound > cumulative_sum_zs).astype(inp.dtype)
    k = jnp.max(is_gt * rng, axis=1, keepdims=True)
    zs_sparse = is_gt * zs
    taus = (jnp.sum(zs_sparse, axis=1, keepdims=True) - 1) / k
    output = jnp.maximum(jnp.zeros_like(inp), inp - taus)
    return output.reshape(original_shape)

if __name__ == "__main__":
    import jax
    _d = setup_inputs()
    print(jax.jit(kernel)(*tuple(_d.values())))

</pallas_src>

<mosaic_0001>
#map = affine_map<(d0, d1) -> (0)>
module attributes {stable_mosaic.version = 14 : i64} {
  func.func @_sc_body(%arg0: i32, %arg1: i32, %arg2: memref<16777216xf32, #tpu.memory_space<hbm>>, %arg3: memref<16777216xf32, #tpu.memory_space<hbm>>, %arg4: memref<32768xf32, #tpu.memory_space<vmem>>, %arg5: memref<32768xf32, #tpu.memory_space<vmem>>) attributes {dimension_semantics = [#tpu.dimension_semantics<core_parallel>, #tpu.dimension_semantics<subcore_parallel>], iteration_bounds = array<i64: 2, 16>, scalar_prefetch = 0 : i64, scratch_operands = 2 : i64, tpu.core_type = #tpu.core_type<sc_vector_subcore>, window_params = [{transform_indices = #map}, {transform_indices = #map}]} {
    %mul3A = arith.constant 2 : i32
    %mul3A_0 = arith.muli %arg1, %mul3A : i32
    %add3A = arith.addi %mul3A_0, %arg0 : i32
    %mul3A_1 = arith.constant 256 : i32
    %mul3A_2 = arith.muli %add3A, %mul3A_1 : i32
    %scan3A = arith.constant 0 : i32
    %scan3A_3 = arith.constant 0 : i32
    %scan3A_4 = arith.constant 16 : i32
    %scan3A_5 = arith.addi %scan3A_3, %scan3A_4 : i32
    %scan3A_6 = arith.constant 1 : i32
    %scan3A_7 = scf.for %scan3A_9 = %scan3A_3 to %scan3A_5 step %scan3A_6 iter_args(%scan3A_10 = %scan3A) -> (i32)  : i32 {
      %mul3A_11 = arith.constant 16 : i32
      %mul3A_12 = arith.muli %scan3A_9, %mul3A_11 : i32
      %add3A_13 = arith.addi %mul3A_2, %mul3A_12 : i32
      %mul3A_14 = arith.constant 2048 : i32
      %mul3A_15 = arith.muli %add3A_13, %mul3A_14 : i32
      "tpu.region"() ({
        %run_scoped3A = tpu.sem_alloc : memref<!tpu.dma_semaphore, #tpu.memory_space<semaphore_mem>>
        %dma_start3A = tpu.memref_slice %arg2[%mul3A_15] : memref<16777216xf32, #tpu.memory_space<hbm>> -> memref<32768xf32, #tpu.memory_space<hbm>>
        %dma_start3A_24 = tpu.memref_slice %arg2[%mul3A_15] : memref<16777216xf32, #tpu.memory_space<hbm>> -> memref<32768xf32, #tpu.memory_space<hbm>>
        tpu.enqueue_dma source(%dma_start3A_24 : memref<32768xf32, #tpu.memory_space<hbm>>) target(%arg4 : memref<32768xf32, #tpu.memory_space<vmem>>) target_semaphore(%run_scoped3A : memref<!tpu.dma_semaphore, #tpu.memory_space<semaphore_mem>>)
        %dma_wait3A = tpu.memref_slice %arg2[%mul3A_15] : memref<16777216xf32, #tpu.memory_space<hbm>> -> memref<32768xf32, #tpu.memory_space<hbm>>
        %dma_wait3A_25 = tpu.memref_slice %arg2[%mul3A_15] : memref<16777216xf32, #tpu.memory_space<hbm>> -> memref<32768xf32, #tpu.memory_space<hbm>>
        tpu.wait_dma2 semaphore(%run_scoped3A : memref<!tpu.dma_semaphore, #tpu.memory_space<semaphore_mem>>) src(%dma_wait3A_25 : memref<32768xf32, #tpu.memory_space<hbm>>) dst(%arg4 : memref<32768xf32, #tpu.memory_space<vmem>>)
        tpu.yield
      }) : () -> ()
      %scan3A_16 = arith.constant 0 : i32
      %scan3A_17 = arith.constant 0 : i32
      %scan3A_18 = arith.constant 16 : i32
      %scan3A_19 = arith.addi %scan3A_17, %scan3A_18 : i32
      %scan3A_20 = arith.constant 1 : i32
      %scan3A_21 = scf.for %scan3A_24 = %scan3A_17 to %scan3A_19 step %scan3A_20 iter_args(%scan3A_25 = %scan3A_16) -> (i32)  : i32 {
        %mul3A_26 = arith.constant 2048 : i32
        %mul3A_27 = arith.muli %scan3A_24, %mul3A_26 : i32
        %get3A = arith.index_cast %mul3A_27 : i32 to index
        %get3A_28 = tpu.vector_load %arg4[%get3A] {strides = array<i32>} : memref<32768xf32, #tpu.memory_space<vmem>>, vector<16xf32>,
        %get3A_29 = vector.shape_cast %get3A_28 : vector<16xf32> to vector<16xf32>
        %scan3A_30 = arith.constant 0 : i32
        %scan3A_31 = arith.constant 16 : i32
        %scan3A_32 = arith.addi %scan3A_30, %scan3A_31 : i32
        %scan3A_33 = arith.constant 1 : i32
        %scan3A_34:4 = scf.for %scan3A_237 = %scan3A_30 to %scan3A_32 step %scan3A_33 iter_args(%scan3A_238 = %get3A_29, %scan3A_239 = %get3A_29, %scan3A_240 = %get3A_29, %scan3A_241 = %get3A_29) -> (vector<16xf32>, vector<16xf32>, vector<16xf32>, vector<16xf32>)  : i32 {
          %mul3A_242 = arith.constant 128 : i32
          %mul3A_243 = arith.muli %scan3A_237, %mul3A_242 : i32
          %add3A_244 = arith.addi %mul3A_27, %mul3A_243 : i32
          %add3A_245 = arith.constant 0 : i32
          %add3A_246 = arith.addi %add3A_244, %add3A_245 : i32
          %get3A_247 = arith.index_cast %add3A_246 : i32 to index
          %get3A_248 = tpu.vector_load %arg4[%get3A_247] {strides = array<i32>} : memref<32768xf32, #tpu.memory_space<vmem>>, vector<16xf32>,
          %get3A_249 = vector.shape_cast %get3A_248 : vector<16xf32> to vector<16xf32>
          %max3A_250 = arith.maximumf %scan3A_238, %get3A_249 : vector<16xf32>
          %add3A_251 = arith.constant 16 : i32
          %add3A_252 = arith.addi %add3A_244, %add3A_251 : i32
          %get3A_253 = arith.index_cast %add3A_252 : i32 to index
          %get3A_254 = tpu.vector_load %arg4[%get3A_253] {strides = array<i32>} : memref<32768xf32, #tpu.memory_space<vmem>>, vector<16xf32>,
          %get3A_255 = vector.shape_cast %get3A_254 : vector<16xf32> to vector<16xf32>
          %max3A_256 = arith.maximumf %scan3A_239, %get3A_255 : vector<16xf32>
          %add3A_257 = arith.constant 32 : i32
          %add3A_258 = arith.addi %add3A_244, %add3A_257 : i32
          %get3A_259 = arith.index_cast %add3A_258 : i32 to index
          %get3A_260 = tpu.vector_load %arg4[%get3A_259] {strides = array<i32>} : memref<32768xf32, #tpu.memory_space<vmem>>, vector<16xf32>,
          %get3A_261 = vector.shape_cast %get3A_260 : vector<16xf32> to vector<16xf32>
          %max3A_262 = arith.maximumf %scan3A_240, %get3A_261 : vector<16xf32>
          %add3A_263 = arith.constant 48 : i32
          %add3A_264 = arith.addi %add3A_244, %add3A_263 : i32
          %get3A_265 = arith.index_cast %add3A_264 : i32 to index
          %get3A_266 = tpu.vector_load %arg4[%get3A_265] {strides = array<i32>} : memref<32768xf32, #tpu.memory_space<vmem>>, vector<16xf32>,
          %get3A_267 = vector.shape_cast %get3A_266 : vector<16xf32> to vector<16xf32>
          %max3A_268 = arith.maximumf %scan3A_241, %get3A_267 : vector<16xf32>
          %add3A_269 = arith.constant 64 : i32
          %add3A_270 = arith.addi %add3A_244, %add3A_269 : i32
          %get3A_271 = arith.index_cast %add3A_270 : i32 to index
          %get3A_272 = tpu.vector_load %arg4[%get3A_271] {strides = array<i32>} : memref<32768xf32, #tpu.memory_space<vmem>>, vector<16xf32>,
          %get3A_273 = vector.shape_cast %get3A_272 : vector<16xf32> to vector<16xf32>
          %max3A_274 = arith.maximumf %max3A_250, %get3A_273 : vector<16xf32>
          %add3A_275 = arith.constant 80 : i32
          %add3A_276 = arith.addi %add3A_244, %add3A_275 : i32
          %get3A_277 = arith.index_cast %add3A_276 : i32 to index
          %get3A_278 = tpu.vector_load %arg4[%get3A_277] {strides = array<i32>} : memref<32768xf32, #tpu.memory_space<vmem>>, vector<16xf32>,
          %get3A_279 = vector.shape_cast %get3A_278 : vector<16xf32> to vector<16xf32>
          %max3A_280 = arith.maximumf %max3A_256, %get3A_279 : vector<16xf32>
          %add3A_281 = arith.constant 96 : i32
          %add3A_282 = arith.addi %add3A_244, %add3A_281 : i32
          %get3A_283 = arith.index_cast %add3A_282 : i32 to index
          %get3A_284 = tpu.vector_load %arg4[%get3A_283] {strides = array<i32>} : memref<32768xf32, #tpu.memory_space<vmem>>, vector<16xf32>,
          %get3A_285 = vector.shape_cast %get3A_284 : vector<16xf32> to vector<16xf32>
          %max3A_286 = arith.maximumf %max3A_262, %get3A_285 : vector<16xf32>
          %add3A_287 = arith.constant 112 : i32
          %add3A_288 = arith.addi %add3A_244, %add3A_287 : i32
          %get3A_289 = arith.index_cast %add3A_288 : i32 to index
          %get3A_290 = tpu.vector_load %arg4[%get3A_289] {strides = array<i32>} : memref<32768xf32, #tpu.memory_space<vmem>>, vector<16xf32>,
          %get3A_291 = vector.shape_cast %get3A_290 : vector<16xf32> to vector<16xf32>
          %max3A_292 = arith.maximumf %max3A_268, %get3A_291 : vector<16xf32>
          scf.yield %max3A_274, %max3A_280, %max3A_286, %max3A_292 : vector<16xf32>, vector<16xf32>, vector<16xf32>, vector<16xf32>
        }
        %scan3A_35 = arith.constant 16 : i32
        %max3A = arith.maximumf %scan3A_34#0, %scan3A_34#1 : vector<16xf32>
        %max3A_36 = arith.maximumf %scan3A_34#2, %scan3A_34#3 : vector<16xf32>
        %max3A_37 = arith.maximumf %max3A, %max3A_36 : vector<16xf32>
        %iota3A = tpu.iota {dimensions = array<i32: 0>} : vector<16xi32>
        %xor3A = arith.constant 1 : i32
        %xor3A_38 = vector.broadcast %xor3A : i32 to vector<16xi32>
        %xor3A_39 = arith.xori %iota3A, %xor3A_38 : vector<16xi32>
        %broadcast_in_dim3A = vector.shape_cast %xor3A_39 : vector<16xi32> to vector<16x1xi32>
        %gather3A = vector.shape_cast %broadcast_in_dim3A : vector<16x1xi32> to vector<16xi32>
        %gather3A_40 = tpu.dynamic_gather %max3A_37[%gather3A] in [0] : vector<16xf32>, vector<16xi32> -> vector<16xf32>
        %max3A_41 = arith.maximumf %max3A_37, %gather3A_40 : vector<16xf32>
        %xor3A_42 = arith.constant 2 : i32
        %xor3A_43 = vector.broadcast %xor3A_42 : i32 to vector<16xi32>
        %xor3A_44 = arith.xori %iota3A, %xor3A_43 : vector<16xi32>
        %broadcast_in_dim3A_45 = vector.shape_cast %xor3A_44 : vector<16xi32> to vector<16x1xi32>
        %gather3A_46 = vector.shape_cast %broadcast_in_dim3A_45 : vector<16x1xi32> to vector<16xi32>
        %gather3A_47 = tpu.dynamic_gather %max3A_41[%gather3A_46] in [0] : vector<16xf32>, vector<16xi32> -> vector<16xf32>
        %max3A_48 = arith.maximumf %max3A_41, %gather3A_47 : vector<16xf32>
        %xor3A_49 = arith.constant 4 : i32
        %xor3A_50 = vector.broadcast %xor3A_49 : i32 to vector<16xi32>
        %xor3A_51 = arith.xori %iota3A, %xor3A_50 : vector<16xi32>
        %broadcast_in_dim3A_52 = vector.shape_cast %xor3A_51 : vector<16xi32> to vector<16x1xi32>
        %gather3A_53 = vector.shape_cast %broadcast_in_dim3A_52 : vector<16x1xi32> to vector<16xi32>
        %gather3A_54 = tpu.dynamic_gather %max3A_48[%gather3A_53] in [0] : vector<16xf32>, vector<16xi32> -> vector<16xf32>
        %max3A_55 = arith.maximumf %max3A_48, %gather3A_54 : vector<16xf32>
        %xor3A_56 = arith.constant 8 : i32
        %xor3A_57 = vector.broadcast %xor3A_56 : i32 to vector<16xi32>
        %xor3A_58 = arith.xori %iota3A, %xor3A_57 : vector<16xi32>
        %broadcast_in_dim3A_59 = vector.shape_cast %xor3A_58 : vector<16xi32> to vector<16x1xi32>
        %gather3A_60 = vector.shape_cast %broadcast_in_dim3A_59 : vector<16x1xi32> to vector<16xi32>
        %gather3A_61 = tpu.dynamic_gather %max3A_55[%gather3A_60] in [0] : vector<16xf32>, vector<16xi32> -> vector<16xf32>
        %max3A_62 = arith.maximumf %max3A_55, %gather3A_61 : vector<16xf32>
        %sub3A = arith.constant 1.000000e+00 : f32
        %sub3A_63 = vector.broadcast %sub3A : f32 to vector<16xf32>
        %sub3A_64 = arith.subf %max3A_62, %sub3A_63 : vector<16xf32>
        %scan3A_65 = arith.constant 0 : i32
        %scan3A_66 = arith.constant 6 : i32
        %scan3A_67 = arith.addi %scan3A_65, %scan3A_66 : i32
        %scan3A_68 = arith.constant 1 : i32
        %scan3A_69:2 = scf.for %scan3A_237 = %scan3A_65 to %scan3A_67 step %scan3A_68 iter_args(%scan3A_238 = %sub3A_64, %scan3A_239 = %max3A_62) -> (vector<16xf32>, vector<16xf32>)  : i32 {
          %add3A_240 = arith.addf %scan3A_238, %scan3A_239 : vector<16xf32>
          %mul3A_241 = arith.constant 5.000000e-01 : f32
          %mul3A_242 = vector.broadcast %mul3A_241 : f32 to vector<16xf32>
          %mul3A_243 = arith.mulf %mul3A_242, %add3A_240 : vector<16xf32>
          %broadcast_in_dim3A_244 = arith.constant 0.000000e+00 : f32
          %broadcast_in_dim3A_245 = vector.broadcast %broadcast_in_dim3A_244 : f32 to vector<16xf32>
          %broadcast_in_dim3A_246 = arith.constant 0.000000e+00 : f32
          %broadcast_in_dim3A_247 = vector.broadcast %broadcast_in_dim3A_246 : f32 to vector<16xf32>
          %broadcast_in_dim3A_248 = arith.constant 0.000000e+00 : f32
          %broadcast_in_dim3A_249 = vector.broadcast %broadcast_in_dim3A_248 : f32 to vector<16xf32>
          %broadcast_in_dim3A_250 = arith.constant 0.000000e+00 : f32
          %broadcast_in_dim3A_251 = vector.broadcast %broadcast_in_dim3A_250 : f32 to vector<16xf32>
          %scan3A_252 = arith.constant 0 : i32
          %scan3A_253 = arith.constant 16 : i32
          %scan3A_254 = arith.addi %scan3A_252, %scan3A_253 : i32
          %scan3A_255 = arith.constant 1 : i32
          %scan3A_256:4 = scf.for %scan3A_293 = %scan3A_252 to %scan3A_254 step %scan3A_255 iter_args(%scan3A_294 = %broadcast_in_dim3A_245, %scan3A_295 = %broadcast_in_dim3A_247, %scan3A_296 = %broadcast_in_dim3A_249, %scan3A_297 = %broadcast_in_dim3A_251) -> (vector<16xf32>, vector<16xf32>, vector<16xf32>, vector<16xf32>)  : i32 {
            %mul3A_298 = arith.constant 128 : i32
            %mul3A_299 = arith.muli %scan3A_293, %mul3A_298 : i32
            %add3A_300 = arith.addi %mul3A_27, %mul3A_299 : i32
            %add3A_301 = arith.constant 0 : i32
            %add3A_302 = arith.addi %add3A_300, %add3A_301 : i32
            %get3A_303 = arith.index_cast %add3A_302 : i32 to index
            %get3A_304 = tpu.vector_load %arg4[%get3A_303] {strides = array<i32>} : memref<32768xf32, #tpu.memory_space<vmem>>, vector<16xf32>,
            %get3A_305 = vector.shape_cast %get3A_304 : vector<16xf32> to vector<16xf32>
            %sub3A_306 = arith.subf %get3A_305, %mul3A_243 : vector<16xf32>
            %max3A_307 = arith.constant 0.000000e+00 : f32
            %max3A_308 = vector.broadcast %max3A_307 : f32 to vector<16xf32>
            %max3A_309 = arith.maximumf %sub3A_306, %max3A_308 : vector<16xf32>
            %add3A_310 = arith.addf %scan3A_294, %max3A_309 : vector<16xf32>
            %add3A_311 = arith.constant 16 : i32
            %add3A_312 = arith.addi %add3A_300, %add3A_311 : i32
            %get3A_313 = arith.index_cast %add3A_312 : i32 to index
            %get3A_314 = tpu.vector_load %arg4[%get3A_313] {strides = array<i32>} : memref<32768xf32, #tpu.memory_space<vmem>>, vector<16xf32>,
            %get3A_315 = vector.shape_cast %get3A_314 : vector<16xf32> to vector<16xf32>
            %sub3A_316 = arith.subf %get3A_315, %mul3A_243 : vector<16xf32>
            %max3A_317 = arith.constant 0.000000e+00 : f32
            %max3A_318 = vector.broadcast %max3A_317 : f32 to vector<16xf32>
            %max3A_319 = arith.maximumf %sub3A_316, %max3A_318 : vector<16xf32>
            %add3A_320 = arith.addf %scan3A_295, %max3A_319 : vector<16xf32>
            %add3A_321 = arith.constant 32 : i32
            %add3A_322 = arith.addi %add3A_300, %add3A_321 : i32
            %get3A_323 = arith.index_cast %add3A_322 : i32 to index
            %get3A_324 = tpu.vector_load %arg4[%get3A_323] {strides = array<i32>} : memref<32768xf32, #tpu.memory_space<vmem>>, vector<16xf32>,
            %get3A_325 = vector.shape_cast %get3A_324 : vector<16xf32> to vector<16xf32>
            %sub3A_326 = arith.subf %get3A_325, %mul3A_243 : vector<16xf32>
            %max3A_327 = arith.constant 0.000000e+00 : f32
            %max3A_328 = vector.broadcast %max3A_327 : f32 to vector<16xf32>
            %max3A_329 = arith.maximumf %sub3A_326, %max3A_328 : vector<16xf32>
            %add3A_330 = arith.addf %scan3A_296, %max3A_329 : vector<16xf32>
            %add3A_331 = arith.constant 48 : i32
            %add3A_332 = arith.addi %add3A_300, %add3A_331 : i32
            %get3A_333 = arith.index_cast %add3A_332 : i32 to index
            %get3A_334 = tpu.vector_load %arg4[%get3A_333] {strides = array<i32>} : memref<32768xf32, #tpu.memory_space<vmem>>, vector<16xf32>,
            %get3A_335 = vector.shape_cast %get3A_334 : vector<16xf32> to vector<16xf32>
            %sub3A_336 = arith.subf %get3A_335, %mul3A_243 : vector<16xf32>
            %max3A_337 = arith.constant 0.000000e+00 : f32
            %max3A_338 = vector.broadcast %max3A_337 : f32 to vector<16xf32>
            %max3A_339 = arith.maximumf %sub3A_336, %max3A_338 : vector<16xf32>
            %add3A_340 = arith.addf %scan3A_297, %max3A_339 : vector<16xf32>
            %add3A_341 = arith.constant 64 : i32
            %add3A_342 = arith.addi %add3A_300, %add3A_341 : i32
            %get3A_343 = arith.index_cast %add3A_342 : i32 to index
            %get3A_344 = tpu.vector_load %arg4[%get3A_343] {strides = array<i32>} : memref<32768xf32, #tpu.memory_space<vmem>>, vector<16xf32>,
            %get3A_345 = vector.shape_cast %get3A_344 : vector<16xf32> to vector<16xf32>
            %sub3A_346 = arith.subf %get3A_345, %mul3A_243 : vector<16xf32>
            %max3A_347 = arith.constant 0.000000e+00 : f32
            %max3A_348 = vector.broadcast %max3A_347 : f32 to vector<16xf32>
            %max3A_349 = arith.maximumf %sub3A_346, %max3A_348 : vector<16xf32>
            %add3A_350 = arith.addf %add3A_310, %max3A_349 : vector<16xf32>
            %add3A_351 = arith.constant 80 : i32
            %add3A_352 = arith.addi %add3A_300, %add3A_351 : i32
            %get3A_353 = arith.index_cast %add3A_352 : i32 to index
            %get3A_354 = tpu.vector_load %arg4[%get3A_353] {strides = array<i32>} : memref<32768xf32, #tpu.memory_space<vmem>>, vector<16xf32>,
            %get3A_355 = vector.shape_cast %get3A_354 : vector<16xf32> to vector<16xf32>
            %sub3A_356 = arith.subf %get3A_355, %mul3A_243 : vector<16xf32>
            %max3A_357 = arith.constant 0.000000e+00 : f32
            %max3A_358 = vector.broadcast %max3A_357 : f32 to vector<16xf32>
            %max3A_359 = arith.maximumf %sub3A_356, %max3A_358 : vector<16xf32>
            %add3A_360 = arith.addf %add3A_320, %max3A_359 : vector<16xf32>
            %add3A_361 = arith.constant 96 : i32
            %add3A_362 = arith.addi %add3A_300, %add3A_361 : i32
            %get3A_363 = arith.index_cast %add3A_362 : i32 to index
            %get3A_364 = tpu.vector_load %arg4[%get3A_363] {strides = array<i32>} : memref<32768xf32, #tpu.memory_space<vmem>>, vector<16xf32>,
            %get3A_365 = vector.shape_cast %get3A_364 : vector<16xf32> to vector<16xf32>
            %sub3A_366 = arith.subf %get3A_365, %mul3A_243 : vector<16xf32>
            %max3A_367 = arith.constant 0.000000e+00 : f32
            %max3A_368 = vector.broadcast %max3A_367 : f32 to vector<16xf32>
            %max3A_369 = arith.maximumf %sub3A_366, %max3A_368 : vector<16xf32>
            %add3A_370 = arith.addf %add3A_330, %max3A_369 : vector<16xf32>
            %add3A_371 = arith.constant 112 : i32
            %add3A_372 = arith.addi %add3A_300, %add3A_371 : i32
            %get3A_373 = arith.index_cast %add3A_372 : i32 to index
            %get3A_374 = tpu.vector_load %arg4[%get3A_373] {strides = array<i32>} : memref<32768xf32, #tpu.memory_space<vmem>>, vector<16xf32>,
            %get3A_375 = vector.shape_cast %get3A_374 : vector<16xf32> to vector<16xf32>
            %sub3A_376 = arith.subf %get3A_375, %mul3A_243 : vector<16xf32>
            %max3A_377 = arith.constant 0.000000e+00 : f32
            %max3A_378 = vector.broadcast %max3A_377 : f32 to vector<16xf32>
            %max3A_379 = arith.maximumf %sub3A_376, %max3A_378 : vector<16xf32>
            %add3A_380 = arith.addf %add3A_340, %max3A_379 : vector<16xf32>
            scf.yield %add3A_350, %add3A_360, %add3A_370, %add3A_380 : vector<16xf32>, vector<16xf32>, vector<16xf32>, vector<16xf32>
          }
          %scan3A_257 = arith.constant 16 : i32
          %add3A_258 = arith.addf %scan3A_256#0, %scan3A_256#1 : vector<16xf32>
          %add3A_259 = arith.addf %scan3A_256#2, %scan3A_256#3 : vector<16xf32>
          %add3A_260 = arith.addf %add3A_258, %add3A_259 : vector<16xf32>
          %iota3A_261 = tpu.iota {dimensions = array<i32: 0>} : vector<16xi32>
          %xor3A_262 = arith.constant 1 : i32
          %xor3A_263 = vector.broadcast %xor3A_262 : i32 to vector<16xi32>
          %xor3A_264 = arith.xori %iota3A_261, %xor3A_263 : vector<16xi32>
          %broadcast_in_dim3A_265 = vector.shape_cast %xor3A_264 : vector<16xi32> to vector<16x1xi32>
          %gather3A_266 = vector.shape_cast %broadcast_in_dim3A_265 : vector<16x1xi32> to vector<16xi32>
          %gather3A_267 = tpu.dynamic_gather %add3A_260[%gather3A_266] in [0] : vector<16xf32>, vector<16xi32> -> vector<16xf32>
          %add3A_268 = arith.addf %add3A_260, %gather3A_267 : vector<16xf32>
          %xor3A_269 = arith.constant 2 : i32
          %xor3A_270 = vector.broadcast %xor3A_269 : i32 to vector<16xi32>
          %xor3A_271 = arith.xori %iota3A_261, %xor3A_270 : vector<16xi32>
          %broadcast_in_dim3A_272 = vector.shape_cast %xor3A_271 : vector<16xi32> to vector<16x1xi32>
          %gather3A_273 = vector.shape_cast %broadcast_in_dim3A_272 : vector<16x1xi32> to vector<16xi32>
          %gather3A_274 = tpu.dynamic_gather %add3A_268[%gather3A_273] in [0] : vector<16xf32>, vector<16xi32> -> vector<16xf32>
          %add3A_275 = arith.addf %add3A_268, %gather3A_274 : vector<16xf32>
          %xor3A_276 = arith.constant 4 : i32
          %xor3A_277 = vector.broadcast %xor3A_276 : i32 to vector<16xi32>
          %xor3A_278 = arith.xori %iota3A_261, %xor3A_277 : vector<16xi32>
          %broadcast_in_dim3A_279 = vector.shape_cast %xor3A_278 : vector<16xi32> to vector<16x1xi32>
          %gather3A_280 = vector.shape_cast %broadcast_in_dim3A_279 : vector<16x1xi32> to vector<16xi32>
          %gather3A_281 = tpu.dynamic_gather %add3A_275[%gather3A_280] in [0] : vector<16xf32>, vector<16xi32> -> vector<16xf32>
          %add3A_282 = arith.addf %add3A_275, %gather3A_281 : vector<16xf32>
          %xor3A_283 = arith.constant 8 : i32
          %xor3A_284 = vector.broadcast %xor3A_283 : i32 to vector<16xi32>
          %xor3A_285 = arith.xori %iota3A_261, %xor3A_284 : vector<16xi32>
          %broadcast_in_dim3A_286 = vector.shape_cast %xor3A_285 : vector<16xi32> to vector<16x1xi32>
          %gather3A_287 = vector.shape_cast %broadcast_in_dim3A_286 : vector<16x1xi32> to vector<16xi32>
          %gather3A_288 = tpu.dynamic_gather %add3A_282[%gather3A_287] in [0] : vector<16xf32>, vector<16xi32> -> vector<16xf32>
          %add3A_289 = arith.addf %add3A_282, %gather3A_288 : vector<16xf32>
          %gt3A = arith.constant 1.000000e+00 : f32
          %gt3A_290 = vector.broadcast %gt3A : f32 to vector<16xf32>
          %gt3A_291 = arith.cmpf ogt, %add3A_289, %gt3A_290 : vector<16xf32>
          %select_n3A = arith.select %gt3A_291, %mul3A_243, %scan3A_238 : vector<16xi1>, vector<16xf32>
          %select_n3A_292 = arith.select %gt3A_291, %scan3A_239, %mul3A_243 : vector<16xi1>, vector<16xf32>
          scf.yield %select_n3A, %select_n3A_292 : vector<16xf32>, vector<16xf32>
        }
        %scan3A_70 = arith.constant 6 : i32
        %broadcast_in_dim3A_71 = arith.constant 0.000000e+00 : f32
        %broadcast_in_dim3A_72 = vector.broadcast %broadcast_in_dim3A_71 : f32 to vector<16xf32>
        %broadcast_in_dim3A_73 = arith.constant 0.000000e+00 : f32
        %broadcast_in_dim3A_74 = vector.broadcast %broadcast_in_dim3A_73 : f32 to vector<16xf32>
        %broadcast_in_dim3A_75 = arith.constant 0.000000e+00 : f32
        %broadcast_in_dim3A_76 = vector.broadcast %broadcast_in_dim3A_75 : f32 to vector<16xf32>
        %broadcast_in_dim3A_77 = arith.constant 0.000000e+00 : f32
        %broadcast_in_dim3A_78 = vector.broadcast %broadcast_in_dim3A_77 : f32 to vector<16xf32>
        %scan3A_79 = arith.constant 0 : i32
        %scan3A_80 = arith.constant 16 : i32
        %scan3A_81 = arith.addi %scan3A_79, %scan3A_80 : i32
        %scan3A_82 = arith.constant 1 : i32
        %scan3A_83:4 = scf.for %scan3A_237 = %scan3A_79 to %scan3A_81 step %scan3A_82 iter_args(%scan3A_238 = %broadcast_in_dim3A_72, %scan3A_239 = %broadcast_in_dim3A_74, %scan3A_240 = %broadcast_in_dim3A_76, %scan3A_241 = %broadcast_in_dim3A_78) -> (vector<16xf32>, vector<16xf32>, vector<16xf32>, vector<16xf32>)  : i32 {
          %mul3A_242 = arith.constant 128 : i32
          %mul3A_243 = arith.muli %scan3A_237, %mul3A_242 : i32
          %add3A_244 = arith.addi %mul3A_27, %mul3A_243 : i32
          %add3A_245 = arith.constant 0 : i32
          %add3A_246 = arith.addi %add3A_244, %add3A_245 : i32
          %get3A_247 = arith.index_cast %add3A_246 : i32 to index
          %get3A_248 = tpu.vector_load %arg4[%get3A_247] {strides = array<i32>} : memref<32768xf32, #tpu.memory_space<vmem>>, vector<16xf32>,
          %get3A_249 = vector.shape_cast %get3A_248 : vector<16xf32> to vector<16xf32>
          %gt3A = arith.cmpf ogt, %get3A_249, %scan3A_69#0 : vector<16xf32>
          %jit3A = arith.constant 0.000000e+00 : f32
          %broadcast_in_dim3A_250 = vector.broadcast %jit3A : f32 to vector<16xf32>
          %select_n3A = arith.select %gt3A, %get3A_249, %broadcast_in_dim3A_250 : vector<16xi1>, vector<16xf32>
          %add3A_251 = arith.addf %scan3A_238, %select_n3A : vector<16xf32>
          %jit3A_252 = arith.constant 1.000000e+00 : f32
          %jit3A_253 = arith.constant 0.000000e+00 : f32
          %broadcast_in_dim3A_254 = vector.broadcast %jit3A_252 : f32 to vector<16xf32>
          %broadcast_in_dim3A_255 = vector.broadcast %jit3A_253 : f32 to vector<16xf32>
          %select_n3A_256 = arith.select %gt3A, %broadcast_in_dim3A_254, %broadcast_in_dim3A_255 : vector<16xi1>, vector<16xf32>
          %add3A_257 = arith.addf %scan3A_240, %select_n3A_256 : vector<16xf32>
          %add3A_258 = arith.constant 16 : i32
          %add3A_259 = arith.addi %add3A_244, %add3A_258 : i32
          %get3A_260 = arith.index_cast %add3A_259 : i32 to index
          %get3A_261 = tpu.vector_load %arg4[%get3A_260] {strides = array<i32>} : memref<32768xf32, #tpu.memory_space<vmem>>, vector<16xf32>,
          %get3A_262 = vector.shape_cast %get3A_261 : vector<16xf32> to vector<16xf32>
          %gt3A_263 = arith.cmpf ogt, %get3A_262, %scan3A_69#0 : vector<16xf32>
          %jit3A_264 = arith.constant 0.000000e+00 : f32
          %broadcast_in_dim3A_265 = vector.broadcast %jit3A_264 : f32 to vector<16xf32>
          %select_n3A_266 = arith.select %gt3A_263, %get3A_262, %broadcast_in_dim3A_265 : vector<16xi1>, vector<16xf32>
          %add3A_267 = arith.addf %scan3A_239, %select_n3A_266 : vector<16xf32>
          %jit3A_268 = arith.constant 1.000000e+00 : f32
          %jit3A_269 = arith.constant 0.000000e+00 : f32
          %broadcast_in_dim3A_270 = vector.broadcast %jit3A_268 : f32 to vector<16xf32>
          %broadcast_in_dim3A_271 = vector.broadcast %jit3A_269 : f32 to vector<16xf32>
          %select_n3A_272 = arith.select %gt3A_263, %broadcast_in_dim3A_270, %broadcast_in_dim3A_271 : vector<16xi1>, vector<16xf32>
          %add3A_273 = arith.addf %scan3A_241, %select_n3A_272 : vector<16xf32>
          %add3A_274 = arith.constant 32 : i32
          %add3A_275 = arith.addi %add3A_244, %add3A_274 : i32
          %get3A_276 = arith.index_cast %add3A_275 : i32 to index
          %get3A_277 = tpu.vector_load %arg4[%get3A_276] {strides = array<i32>} : memref<32768xf32, #tpu.memory_space<vmem>>, vector<16xf32>,
          %get3A_278 = vector.shape_cast %get3A_277 : vector<16xf32> to vector<16xf32>
          %gt3A_279 = arith.cmpf ogt, %get3A_278, %scan3A_69#0 : vector<16xf32>
          %jit3A_280 = arith.constant 0.000000e+00 : f32
          %broadcast_in_dim3A_281 = vector.broadcast %jit3A_280 : f32 to vector<16xf32>
          %select_n3A_282 = arith.select %gt3A_279, %get3A_278, %broadcast_in_dim3A_281 : vector<16xi1>, vector<16xf32>
          %add3A_283 = arith.addf %add3A_251, %select_n3A_282 : vector<16xf32>
          %jit3A_284 = arith.constant 1.000000e+00 : f32
          %jit3A_285 = arith.constant 0.000000e+00 : f32
          %broadcast_in_dim3A_286 = vector.broadcast %jit3A_284 : f32 to vector<16xf32>
          %broadcast_in_dim3A_287 = vector.broadcast %jit3A_285 : f32 to vector<16xf32>
          %select_n3A_288 = arith.select %gt3A_279, %broadcast_in_dim3A_286, %broadcast_in_dim3A_287 : vector<16xi1>, vector<16xf32>
          %add3A_289 = arith.addf %add3A_257, %select_n3A_288 : vector<16xf32>
          %add3A_290 = arith.constant 48 : i32
          %add3A_291 = arith.addi %add3A_244, %add3A_290 : i32
          %get3A_292 = arith.index_cast %add3A_291 : i32 to index
          %get3A_293 = tpu.vector_load %arg4[%get3A_292] {strides = array<i32>} : memref<32768xf32, #tpu.memory_space<vmem>>, vector<16xf32>,
          %get3A_294 = vector.shape_cast %get3A_293 : vector<16xf32> to vector<16xf32>
          %gt3A_295 = arith.cmpf ogt, %get3A_294, %scan3A_69#0 : vector<16xf32>
          %jit3A_296 = arith.constant 0.000000e+00 : f32
          %broadcast_in_dim3A_297 = vector.broadcast %jit3A_296 : f32 to vector<16xf32>
          %select_n3A_298 = arith.select %gt3A_295, %get3A_294, %broadcast_in_dim3A_297 : vector<16xi1>, vector<16xf32>
          %add3A_299 = arith.addf %add3A_267, %select_n3A_298 : vector<16xf32>
          %jit3A_300 = arith.constant 1.000000e+00 : f32
          %jit3A_301 = arith.constant 0.000000e+00 : f32
          %broadcast_in_dim3A_302 = vector.broadcast %jit3A_300 : f32 to vector<16xf32>
          %broadcast_in_dim3A_303 = vector.broadcast %jit3A_301 : f32 to vector<16xf32>
          %select_n3A_304 = arith.select %gt3A_295, %broadcast_in_dim3A_302, %broadcast_in_dim3A_303 : vector<16xi1>, vector<16xf32>
          %add3A_305 = arith.addf %add3A_273, %select_n3A_304 : vector<16xf32>
          %add3A_306 = arith.constant 64 : i32
          %add3A_307 = arith.addi %add3A_244, %add3A_306 : i32
          %get3A_308 = arith.index_cast %add3A_307 : i32 to index
          %get3A_309 = tpu.vector_load %arg4[%get3A_308] {strides = array<i32>} : memref<32768xf32, #tpu.memory_space<vmem>>, vector<16xf32>,
          %get3A_310 = vector.shape_cast %get3A_309 : vector<16xf32> to vector<16xf32>
          %gt3A_311 = arith.cmpf ogt, %get3A_310, %scan3A_69#0 : vector<16xf32>
          %jit3A_312 = arith.constant 0.000000e+00 : f32
          %broadcast_in_dim3A_313 = vector.broadcast %jit3A_312 : f32 to vector<16xf32>
          %select_n3A_314 = arith.select %gt3A_311, %get3A_310, %broadcast_in_dim3A_313 : vector<16xi1>, vector<16xf32>
          %add3A_315 = arith.addf %add3A_283, %select_n3A_314 : vector<16xf32>
          %jit3A_316 = arith.constant 1.000000e+00 : f32
          %jit3A_317 = arith.constant 0.000000e+00 : f32
          %broadcast_in_dim3A_318 = vector.broadcast %jit3A_316 : f32 to vector<16xf32>
          %broadcast_in_dim3A_319 = vector.broadcast %jit3A_317 : f32 to vector<16xf32>
          %select_n3A_320 = arith.select %gt3A_311, %broadcast_in_dim3A_318, %broadcast_in_dim3A_319 : vector<16xi1>, vector<16xf32>
          %add3A_321 = arith.addf %add3A_289, %select_n3A_320 : vector<16xf32>
          %add3A_322 = arith.constant 80 : i32
          %add3A_323 = arith.addi %add3A_244, %add3A_322 : i32
          %get3A_324 = arith.index_cast %add3A_323 : i32 to index
          %get3A_325 = tpu.vector_load %arg4[%get3A_324] {strides = array<i32>} : memref<32768xf32, #tpu.memory_space<vmem>>, vector<16xf32>,
          %get3A_326 = vector.shape_cast %get3A_325 : vector<16xf32> to vector<16xf32>
          %gt3A_327 = arith.cmpf ogt, %get3A_326, %scan3A_69#0 : vector<16xf32>
          %jit3A_328 = arith.constant 0.000000e+00 : f32
          %broadcast_in_dim3A_329 = vector.broadcast %jit3A_328 : f32 to vector<16xf32>
          %select_n3A_330 = arith.select %gt3A_327, %get3A_326, %broadcast_in_dim3A_329 : vector<16xi1>, vector<16xf32>
          %add3A_331 = arith.addf %add3A_299, %select_n3A_330 : vector<16xf32>
          %jit3A_332 = arith.constant 1.000000e+00 : f32
          %jit3A_333 = arith.constant 0.000000e+00 : f32
          %broadcast_in_dim3A_334 = vector.broadcast %jit3A_332 : f32 to vector<16xf32>
          %broadcast_in_dim3A_335 = vector.broadcast %jit3A_333 : f32 to vector<16xf32>
          %select_n3A_336 = arith.select %gt3A_327, %broadcast_in_dim3A_334, %broadcast_in_dim3A_335 : vector<16xi1>, vector<16xf32>
          %add3A_337 = arith.addf %add3A_305, %select_n3A_336 : vector<16xf32>
          %add3A_338 = arith.constant 96 : i32
          %add3A_339 = arith.addi %add3A_244, %add3A_338 : i32
          %get3A_340 = arith.index_cast %add3A_339 : i32 to index
          %get3A_341 = tpu.vector_load %arg4[%get3A_340] {strides = array<i32>} : memref<32768xf32, #tpu.memory_space<vmem>>, vector<16xf32>,
          %get3A_342 = vector.shape_cast %get3A_341 : vector<16xf32> to vector<16xf32>
          %gt3A_343 = arith.cmpf ogt, %get3A_342, %scan3A_69#0 : vector<16xf32>
          %jit3A_344 = arith.constant 0.000000e+00 : f32
          %broadcast_in_dim3A_345 = vector.broadcast %jit3A_344 : f32 to vector<16xf32>
          %select_n3A_346 = arith.select %gt3A_343, %get3A_342, %broadcast_in_dim3A_345 : vector<16xi1>, vector<16xf32>
          %add3A_347 = arith.addf %add3A_315, %select_n3A_346 : vector<16xf32>
          %jit3A_348 = arith.constant 1.000000e+00 : f32
          %jit3A_349 = arith.constant 0.000000e+00 : f32
          %broadcast_in_dim3A_350 = vector.broadcast %jit3A_348 : f32 to vector<16xf32>
          %broadcast_in_dim3A_351 = vector.broadcast %jit3A_349 : f32 to vector<16xf32>
          %select_n3A_352 = arith.select %gt3A_343, %broadcast_in_dim3A_350, %broadcast_in_dim3A_351 : vector<16xi1>, vector<16xf32>
          %add3A_353 = arith.addf %add3A_321, %select_n3A_352 : vector<16xf32>
          %add3A_354 = arith.constant 112 : i32
          %add3A_355 = arith.addi %add3A_244, %add3A_354 : i32
          %get3A_356 = arith.index_cast %add3A_355 : i32 to index
          %get3A_357 = tpu.vector_load %arg4[%get3A_356] {strides = array<i32>} : memref<32768xf32, #tpu.memory_space<vmem>>, vector<16xf32>,
          %get3A_358 = vector.shape_cast %get3A_357 : vector<16xf32> to vector<16xf32>
          %gt3A_359 = arith.cmpf ogt, %get3A_358, %scan3A_69#0 : vector<16xf32>
          %jit3A_360 = arith.constant 0.000000e+00 : f32
          %broadcast_in_dim3A_361 = vector.broadcast %jit3A_360 : f32 to vector<16xf32>
          %select_n3A_362 = arith.select %gt3A_359, %get3A_358, %broadcast_in_dim3A_361 : vector<16xi1>, vector<16xf32>
          %add3A_363 = arith.addf %add3A_331, %select_n3A_362 : vector<16xf32>
          %jit3A_364 = arith.constant 1.000000e+00 : f32
          %jit3A_365 = arith.constant 0.000000e+00 : f32
          %broadcast_in_dim3A_366 = vector.broadcast %jit3A_364 : f32 to vector<16xf32>
          %broadcast_in_dim3A_367 = vector.broadcast %jit3A_365 : f32 to vector<16xf32>
          %select_n3A_368 = arith.select %gt3A_359, %broadcast_in_dim3A_366, %broadcast_in_dim3A_367 : vector<16xi1>, vector<16xf32>
          %add3A_369 = arith.addf %add3A_337, %select_n3A_368 : vector<16xf32>
          scf.yield %add3A_347, %add3A_363, %add3A_353, %add3A_369 : vector<16xf32>, vector<16xf32>, vector<16xf32>, vector<16xf32>
        }
        %scan3A_84 = arith.constant 16 : i32
        %add3A_85 = arith.addf %scan3A_83#0, %scan3A_83#1 : vector<16xf32>
        %iota3A_86 = tpu.iota {dimensions = array<i32: 0>} : vector<16xi32>
        %xor3A_87 = arith.constant 1 : i32
        %xor3A_88 = vector.broadcast %xor3A_87 : i32 to vector<16xi32>
        %xor3A_89 = arith.xori %iota3A_86, %xor3A_88 : vector<16xi32>
        %broadcast_in_dim3A_90 = vector.shape_cast %xor3A_89 : vector<16xi32> to vector<16x1xi32>
        %gather3A_91 = vector.shape_cast %broadcast_in_dim3A_90 : vector<16x1xi32> to vector<16xi32>
        %gather3A_92 = tpu.dynamic_gather %add3A_85[%gather3A_91] in [0] : vector<16xf32>, vector<16xi32> -> vector<16xf32>
        %add3A_93 = arith.addf %add3A_85, %gather3A_92 : vector<16xf32>
        %xor3A_94 = arith.constant 2 : i32
        %xor3A_95 = vector.broadcast %xor3A_94 : i32 to vector<16xi32>
        %xor3A_96 = arith.xori %iota3A_86, %xor3A_95 : vector<16xi32>
        %broadcast_in_dim3A_97 = vector.shape_cast %xor3A_96 : vector<16xi32> to vector<16x1xi32>
        %gather3A_98 = vector.shape_cast %broadcast_in_dim3A_97 : vector<16x1xi32> to vector<16xi32>
        %gather3A_99 = tpu.dynamic_gather %add3A_93[%gather3A_98] in [0] : vector<16xf32>, vector<16xi32> -> vector<16xf32>
        %add3A_100 = arith.addf %add3A_93, %gather3A_99 : vector<16xf32>
        %xor3A_101 = arith.constant 4 : i32
        %xor3A_102 = vector.broadcast %xor3A_101 : i32 to vector<16xi32>
        %xor3A_103 = arith.xori %iota3A_86, %xor3A_102 : vector<16xi32>
        %broadcast_in_dim3A_104 = vector.shape_cast %xor3A_103 : vector<16xi32> to vector<16x1xi32>
        %gather3A_105 = vector.shape_cast %broadcast_in_dim3A_104 : vector<16x1xi32> to vector<16xi32>
        %gather3A_106 = tpu.dynamic_gather %add3A_100[%gather3A_105] in [0] : vector<16xf32>, vector<16xi32> -> vector<16xf32>
        %add3A_107 = arith.addf %add3A_100, %gather3A_106 : vector<16xf32>
        %xor3A_108 = arith.constant 8 : i32
        %xor3A_109 = vector.broadcast %xor3A_108 : i32 to vector<16xi32>
        %xor3A_110 = arith.xori %iota3A_86, %xor3A_109 : vector<16xi32>
        %broadcast_in_dim3A_111 = vector.shape_cast %xor3A_110 : vector<16xi32> to vector<16x1xi32>
        %gather3A_112 = vector.shape_cast %broadcast_in_dim3A_111 : vector<16x1xi32> to vector<16xi32>
        %gather3A_113 = tpu.dynamic_gather %add3A_107[%gather3A_112] in [0] : vector<16xf32>, vector<16xi32> -> vector<16xf32>
        %add3A_114 = arith.addf %add3A_107, %gather3A_113 : vector<16xf32>
        %add3A_115 = arith.addf %scan3A_83#2, %scan3A_83#3 : vector<16xf32>
        %iota3A_116 = tpu.iota {dimensions = array<i32: 0>} : vector<16xi32>
        %xor3A_117 = arith.constant 1 : i32
        %xor3A_118 = vector.broadcast %xor3A_117 : i32 to vector<16xi32>
        %xor3A_119 = arith.xori %iota3A_116, %xor3A_118 : vector<16xi32>
        %broadcast_in_dim3A_120 = vector.shape_cast %xor3A_119 : vector<16xi32> to vector<16x1xi32>
        %gather3A_121 = vector.shape_cast %broadcast_in_dim3A_120 : vector<16x1xi32> to vector<16xi32>
        %gather3A_122 = tpu.dynamic_gather %add3A_115[%gather3A_121] in [0] : vector<16xf32>, vector<16xi32> -> vector<16xf32>
        %add3A_123 = arith.addf %add3A_115, %gather3A_122 : vector<16xf32>
        %xor3A_124 = arith.constant 2 : i32
        %xor3A_125 = vector.broadcast %xor3A_124 : i32 to vector<16xi32>
        %xor3A_126 = arith.xori %iota3A_116, %xor3A_125 : vector<16xi32>
        %broadcast_in_dim3A_127 = vector.shape_cast %xor3A_126 : vector<16xi32> to vector<16x1xi32>
        %gather3A_128 = vector.shape_cast %broadcast_in_dim3A_127 : vector<16x1xi32> to vector<16xi32>
        %gather3A_129 = tpu.dynamic_gather %add3A_123[%gather3A_128] in [0] : vector<16xf32>, vector<16xi32> -> vector<16xf32>
        %add3A_130 = arith.addf %add3A_123, %gather3A_129 : vector<16xf32>
        %xor3A_131 = arith.constant 4 : i32
        %xor3A_132 = vector.broadcast %xor3A_131 : i32 to vector<16xi32>
        %xor3A_133 = arith.xori %iota3A_116, %xor3A_132 : vector<16xi32>
        %broadcast_in_dim3A_134 = vector.shape_cast %xor3A_133 : vector<16xi32> to vector<16x1xi32>
        %gather3A_135 = vector.shape_cast %broadcast_in_dim3A_134 : vector<16x1xi32> to vector<16xi32>
        %gather3A_136 = tpu.dynamic_gather %add3A_130[%gather3A_135] in [0] : vector<16xf32>, vector<16xi32> -> vector<16xf32>
        %add3A_137 = arith.addf %add3A_130, %gather3A_136 : vector<16xf32>
        %xor3A_138 = arith.constant 8 : i32
        %xor3A_139 = vector.broadcast %xor3A_138 : i32 to vector<16xi32>
        %xor3A_140 = arith.xori %iota3A_116, %xor3A_139 : vector<16xi32>
        %broadcast_in_dim3A_141 = vector.shape_cast %xor3A_140 : vector<16xi32> to vector<16x1xi32>
        %gather3A_142 = vector.shape_cast %broadcast_in_dim3A_141 : vector<16x1xi32> to vector<16xi32>
        %gather3A_143 = tpu.dynamic_gather %add3A_137[%gather3A_142] in [0] : vector<16xf32>, vector<16xi32> -> vector<16xf32>
        %add3A_144 = arith.addf %add3A_137, %gather3A_143 : vector<16xf32>
        %sub3A_145 = arith.constant 1.000000e+00 : f32
        %sub3A_146 = vector.broadcast %sub3A_145 : f32 to vector<16xf32>
        %sub3A_147 = arith.subf %add3A_114, %sub3A_146 : vector<16xf32>
        %div3A = arith.divf %sub3A_147, %add3A_144 : vector<16xf32>
        %max3A_148 = arith.maximumf %scan3A_69#0, %div3A : vector<16xf32>
        %min3A = arith.minimumf %scan3A_69#1, %max3A_148 : vector<16xf32>
        %broadcast_in_dim3A_149 = arith.constant 0.000000e+00 : f32
        %broadcast_in_dim3A_150 = vector.broadcast %broadcast_in_dim3A_149 : f32 to vector<16xf32>
        %broadcast_in_dim3A_151 = arith.constant 0.000000e+00 : f32
        %broadcast_in_dim3A_152 = vector.broadcast %broadcast_in_dim3A_151 : f32 to vector<16xf32>
        %broadcast_in_dim3A_153 = arith.constant 0.000000e+00 : f32
        %broadcast_in_dim3A_154 = vector.broadcast %broadcast_in_dim3A_153 : f32 to vector<16xf32>
        %broadcast_in_dim3A_155 = arith.constant 0.000000e+00 : f32
        %broadcast_in_dim3A_156 = vector.broadcast %broadcast_in_dim3A_155 : f32 to vector<16xf32>
        %scan3A_157 = arith.constant 0 : i32
        %scan3A_158 = arith.constant 16 : i32
        %scan3A_159 = arith.addi %scan3A_157, %scan3A_158 : i32
        %scan3A_160 = arith.constant 1 : i32
        %scan3A_161:4 = scf.for %scan3A_237 = %scan3A_157 to %scan3A_159 step %scan3A_160 iter_args(%scan3A_238 = %broadcast_in_dim3A_150, %scan3A_239 = %broadcast_in_dim3A_152, %scan3A_240 = %broadcast_in_dim3A_154, %scan3A_241 = %broadcast_in_dim3A_156) -> (vector<16xf32>, vector<16xf32>, vector<16xf32>, vector<16xf32>)  : i32 {
          %mul3A_242 = arith.constant 128 : i32
          %mul3A_243 = arith.muli %scan3A_237, %mul3A_242 : i32
          %add3A_244 = arith.addi %mul3A_27, %mul3A_243 : i32
          %add3A_245 = arith.constant 0 : i32
          %add3A_246 = arith.addi %add3A_244, %add3A_245 : i32
          %get3A_247 = arith.index_cast %add3A_246 : i32 to index
          %get3A_248 = tpu.vector_load %arg4[%get3A_247] {strides = array<i32>} : memref<32768xf32, #tpu.memory_space<vmem>>, vector<16xf32>,
          %get3A_249 = vector.shape_cast %get3A_248 : vector<16xf32> to vector<16xf32>
          %gt3A = arith.cmpf ogt, %get3A_249, %min3A : vector<16xf32>
          %jit3A = arith.constant 0.000000e+00 : f32
          %broadcast_in_dim3A_250 = vector.broadcast %jit3A : f32 to vector<16xf32>
          %select_n3A = arith.select %gt3A, %get3A_249, %broadcast_in_dim3A_250 : vector<16xi1>, vector<16xf32>
          %add3A_251 = arith.addf %scan3A_238, %select_n3A : vector<16xf32>
          %jit3A_252 = arith.constant 1.000000e+00 : f32
          %jit3A_253 = arith.constant 0.000000e+00 : f32
          %broadcast_in_dim3A_254 = vector.broadcast %jit3A_252 : f32 to vector<16xf32>
          %broadcast_in_dim3A_255 = vector.broadcast %jit3A_253 : f32 to vector<16xf32>
          %select_n3A_256 = arith.select %gt3A, %broadcast_in_dim3A_254, %broadcast_in_dim3A_255 : vector<16xi1>, vector<16xf32>
          %add3A_257 = arith.addf %scan3A_240, %select_n3A_256 : vector<16xf32>
          %add3A_258 = arith.constant 16 : i32
          %add3A_259 = arith.addi %add3A_244, %add3A_258 : i32
          %get3A_260 = arith.index_cast %add3A_259 : i32 to index
          %get3A_261 = tpu.vector_load %arg4[%get3A_260] {strides = array<i32>} : memref<32768xf32, #tpu.memory_space<vmem>>, vector<16xf32>,
          %get3A_262 = vector.shape_cast %get3A_261 : vector<16xf32> to vector<16xf32>
          %gt3A_263 = arith.cmpf ogt, %get3A_262, %min3A : vector<16xf32>
          %jit3A_264 = arith.constant 0.000000e+00 : f32
          %broadcast_in_dim3A_265 = vector.broadcast %jit3A_264 : f32 to vector<16xf32>
          %select_n3A_266 = arith.select %gt3A_263, %get3A_262, %broadcast_in_dim3A_265 : vector<16xi1>, vector<16xf32>
          %add3A_267 = arith.addf %scan3A_239, %select_n3A_266 : vector<16xf32>
          %jit3A_268 = arith.constant 1.000000e+00 : f32
          %jit3A_269 = arith.constant 0.000000e+00 : f32
          %broadcast_in_dim3A_270 = vector.broadcast %jit3A_268 : f32 to vector<16xf32>
          %broadcast_in_dim3A_271 = vector.broadcast %jit3A_269 : f32 to vector<16xf32>
          %select_n3A_272 = arith.select %gt3A_263, %broadcast_in_dim3A_270, %broadcast_in_dim3A_271 : vector<16xi1>, vector<16xf32>
          %add3A_273 = arith.addf %scan3A_241, %select_n3A_272 : vector<16xf32>
          %add3A_274 = arith.constant 32 : i32
          %add3A_275 = arith.addi %add3A_244, %add3A_274 : i32
          %get3A_276 = arith.index_cast %add3A_275 : i32 to index
          %get3A_277 = tpu.vector_load %arg4[%get3A_276] {strides = array<i32>} : memref<32768xf32, #tpu.memory_space<vmem>>, vector<16xf32>,
          %get3A_278 = vector.shape_cast %get3A_277 : vector<16xf32> to vector<16xf32>
          %gt3A_279 = arith.cmpf ogt, %get3A_278, %min3A : vector<16xf32>
          %jit3A_280 = arith.constant 0.000000e+00 : f32
          %broadcast_in_dim3A_281 = vector.broadcast %jit3A_280 : f32 to vector<16xf32>
          %select_n3A_282 = arith.select %gt3A_279, %get3A_278, %broadcast_in_dim3A_281 : vector<16xi1>, vector<16xf32>
          %add3A_283 = arith.addf %add3A_251, %select_n3A_282 : vector<16xf32>
          %jit3A_284 = arith.constant 1.000000e+00 : f32
          %jit3A_285 = arith.constant 0.000000e+00 : f32
          %broadcast_in_dim3A_286 = vector.broadcast %jit3A_284 : f32 to vector<16xf32>
          %broadcast_in_dim3A_287 = vector.broadcast %jit3A_285 : f32 to vector<16xf32>
          %select_n3A_288 = arith.select %gt3A_279, %broadcast_in_dim3A_286, %broadcast_in_dim3A_287 : vector<16xi1>, vector<16xf32>
          %add3A_289 = arith.addf %add3A_257, %select_n3A_288 : vector<16xf32>
          %add3A_290 = arith.constant 48 : i32
          %add3A_291 = arith.addi %add3A_244, %add3A_290 : i32
          %get3A_292 = arith.index_cast %add3A_291 : i32 to index
          %get3A_293 = tpu.vector_load %arg4[%get3A_292] {strides = array<i32>} : memref<32768xf32, #tpu.memory_space<vmem>>, vector<16xf32>,
          %get3A_294 = vector.shape_cast %get3A_293 : vector<16xf32> to vector<16xf32>
          %gt3A_295 = arith.cmpf ogt, %get3A_294, %min3A : vector<16xf32>
          %jit3A_296 = arith.constant 0.000000e+00 : f32
          %broadcast_in_dim3A_297 = vector.broadcast %jit3A_296 : f32 to vector<16xf32>
          %select_n3A_298 = arith.select %gt3A_295, %get3A_294, %broadcast_in_dim3A_297 : vector<16xi1>, vector<16xf32>
          %add3A_299 = arith.addf %add3A_267, %select_n3A_298 : vector<16xf32>
          %jit3A_300 = arith.constant 1.000000e+00 : f32
          %jit3A_301 = arith.constant 0.000000e+00 : f32
          %broadcast_in_dim3A_302 = vector.broadcast %jit3A_300 : f32 to vector<16xf32>
          %broadcast_in_dim3A_303 = vector.broadcast %jit3A_301 : f32 to vector<16xf32>
          %select_n3A_304 = arith.select %gt3A_295, %broadcast_in_dim3A_302, %broadcast_in_dim3A_303 : vector<16xi1>, vector<16xf32>
          %add3A_305 = arith.addf %add3A_273, %select_n3A_304 : vector<16xf32>
          %add3A_306 = arith.constant 64 : i32
          %add3A_307 = arith.addi %add3A_244, %add3A_306 : i32
          %get3A_308 = arith.index_cast %add3A_307 : i32 to index
          %get3A_309 = tpu.vector_load %arg4[%get3A_308] {strides = array<i32>} : memref<32768xf32, #tpu.memory_space<vmem>>, vector<16xf32>,
          %get3A_310 = vector.shape_cast %get3A_309 : vector<16xf32> to vector<16xf32>
          %gt3A_311 = arith.cmpf ogt, %get3A_310, %min3A : vector<16xf32>
          %jit3A_312 = arith.constant 0.000000e+00 : f32
          %broadcast_in_dim3A_313 = vector.broadcast %jit3A_312 : f32 to vector<16xf32>
          %select_n3A_314 = arith.select %gt3A_311, %get3A_310, %broadcast_in_dim3A_313 : vector<16xi1>, vector<16xf32>
          %add3A_315 = arith.addf %add3A_283, %select_n3A_314 : vector<16xf32>
          %jit3A_316 = arith.constant 1.000000e+00 : f32
          %jit3A_317 = arith.constant 0.000000e+00 : f32
          %broadcast_in_dim3A_318 = vector.broadcast %jit3A_316 : f32 to vector<16xf32>
          %broadcast_in_dim3A_319 = vector.broadcast %jit3A_317 : f32 to vector<16xf32>
          %select_n3A_320 = arith.select %gt3A_311, %broadcast_in_dim3A_318, %broadcast_in_dim3A_319 : vector<16xi1>, vector<16xf32>
          %add3A_321 = arith.addf %add3A_289, %select_n3A_320 : vector<16xf32>
          %add3A_322 = arith.constant 80 : i32
          %add3A_323 = arith.addi %add3A_244, %add3A_322 : i32
          %get3A_324 = arith.index_cast %add3A_323 : i32 to index
          %get3A_325 = tpu.vector_load %arg4[%get3A_324] {strides = array<i32>} : memref<32768xf32, #tpu.memory_space<vmem>>, vector<16xf32>,
          %get3A_326 = vector.shape_cast %get3A_325 : vector<16xf32> to vector<16xf32>
          %gt3A_327 = arith.cmpf ogt, %get3A_326, %min3A : vector<16xf32>
          %jit3A_328 = arith.constant 0.000000e+00 : f32
          %broadcast_in_dim3A_329 = vector.broadcast %jit3A_328 : f32 to vector<16xf32>
          %select_n3A_330 = arith.select %gt3A_327, %get3A_326, %broadcast_in_dim3A_329 : vector<16xi1>, vector<16xf32>
          %add3A_331 = arith.addf %add3A_299, %select_n3A_330 : vector<16xf32>
          %jit3A_332 = arith.constant 1.000000e+00 : f32
          %jit3A_333 = arith.constant 0.000000e+00 : f32
          %broadcast_in_dim3A_334 = vector.broadcast %jit3A_332 : f32 to vector<16xf32>
          %broadcast_in_dim3A_335 = vector.broadcast %jit3A_333 : f32 to vector<16xf32>
          %select_n3A_336 = arith.select %gt3A_327, %broadcast_in_dim3A_334, %broadcast_in_dim3A_335 : vector<16xi1>, vector<16xf32>
          %add3A_337 = arith.addf %add3A_305, %select_n3A_336 : vector<16xf32>
          %add3A_338 = arith.constant 96 : i32
          %add3A_339 = arith.addi %add3A_244, %add3A_338 : i32
          %get3A_340 = arith.index_cast %add3A_339 : i32 to index
          %get3A_341 = tpu.vector_load %arg4[%get3A_340] {strides = array<i32>} : memref<32768xf32, #tpu.memory_space<vmem>>, vector<16xf32>,
          %get3A_342 = vector.shape_cast %get3A_341 : vector<16xf32> to vector<16xf32>
          %gt3A_343 = arith.cmpf ogt, %get3A_342, %min3A : vector<16xf32>
          %jit3A_344 = arith.constant 0.000000e+00 : f32
          %broadcast_in_dim3A_345 = vector.broadcast %jit3A_344 : f32 to vector<16xf32>
          %select_n3A_346 = arith.select %gt3A_343, %get3A_342, %broadcast_in_dim3A_345 : vector<16xi1>, vector<16xf32>
          %add3A_347 = arith.addf %add3A_315, %select_n3A_346 : vector<16xf32>
          %jit3A_348 = arith.constant 1.000000e+00 : f32
          %jit3A_349 = arith.constant 0.000000e+00 : f32
          %broadcast_in_dim3A_350 = vector.broadcast %jit3A_348 : f32 to vector<16xf32>
          %broadcast_in_dim3A_351 = vector.broadcast %jit3A_349 : f32 to vector<16xf32>
          %select_n3A_352 = arith.select %gt3A_343, %broadcast_in_dim3A_350, %broadcast_in_dim3A_351 : vector<16xi1>, vector<16xf32>
          %add3A_353 = arith.addf %add3A_321, %select_n3A_352 : vector<16xf32>
          %add3A_354 = arith.constant 112 : i32
          %add3A_355 = arith.addi %add3A_244, %add3A_354 : i32
          %get3A_356 = arith.index_cast %add3A_355 : i32 to index
          %get3A_357 = tpu.vector_load %arg4[%get3A_356] {strides = array<i32>} : memref<32768xf32, #tpu.memory_space<vmem>>, vector<16xf32>,
          %get3A_358 = vector.shape_cast %get3A_357 : vector<16xf32> to vector<16xf32>
          %gt3A_359 = arith.cmpf ogt, %get3A_358, %min3A : vector<16xf32>
          %jit3A_360 = arith.constant 0.000000e+00 : f32
          %broadcast_in_dim3A_361 = vector.broadcast %jit3A_360 : f32 to vector<16xf32>
          %select_n3A_362 = arith.select %gt3A_359, %get3A_358, %broadcast_in_dim3A_361 : vector<16xi1>, vector<16xf32>
          %add3A_363 = arith.addf %add3A_331, %select_n3A_362 : vector<16xf32>
          %jit3A_364 = arith.constant 1.000000e+00 : f32
          %jit3A_365 = arith.constant 0.000000e+00 : f32
          %broadcast_in_dim3A_366 = vector.broadcast %jit3A_364 : f32 to vector<16xf32>
          %broadcast_in_dim3A_367 = vector.broadcast %jit3A_365 : f32 to vector<16xf32>
          %select_n3A_368 = arith.select %gt3A_359, %broadcast_in_dim3A_366, %broadcast_in_dim3A_367 : vector<16xi1>, vector<16xf32>
          %add3A_369 = arith.addf %add3A_337, %select_n3A_368 : vector<16xf32>
          scf.yield %add3A_347, %add3A_363, %add3A_353, %add3A_369 : vector<16xf32>, vector<16xf32>, vector<16xf32>, vector<16xf32>
        }
        %scan3A_162 = arith.constant 16 : i32
        %add3A_163 = arith.addf %scan3A_161#0, %scan3A_161#1 : vector<16xf32>
        %iota3A_164 = tpu.iota {dimensions = array<i32: 0>} : vector<16xi32>
        %xor3A_165 = arith.constant 1 : i32
        %xor3A_166 = vector.broadcast %xor3A_165 : i32 to vector<16xi32>
        %xor3A_167 = arith.xori %iota3A_164, %xor3A_166 : vector<16xi32>
        %broadcast_in_dim3A_168 = vector.shape_cast %xor3A_167 : vector<16xi32> to vector<16x1xi32>
        %gather3A_169 = vector.shape_cast %broadcast_in_dim3A_168 : vector<16x1xi32> to vector<16xi32>
        %gather3A_170 = tpu.dynamic_gather %add3A_163[%gather3A_169] in [0] : vector<16xf32>, vector<16xi32> -> vector<16xf32>
        %add3A_171 = arith.addf %add3A_163, %gather3A_170 : vector<16xf32>
        %xor3A_172 = arith.constant 2 : i32
        %xor3A_173 = vector.broadcast %xor3A_172 : i32 to vector<16xi32>
        %xor3A_174 = arith.xori %iota3A_164, %xor3A_173 : vector<16xi32>
        %broadcast_in_dim3A_175 = vector.shape_cast %xor3A_174 : vector<16xi32> to vector<16x1xi32>
        %gather3A_176 = vector.shape_cast %broadcast_in_dim3A_175 : vector<16x1xi32> to vector<16xi32>
        %gather3A_177 = tpu.dynamic_gather %add3A_171[%gather3A_176] in [0] : vector<16xf32>, vector<16xi32> -> vector<16xf32>
        %add3A_178 = arith.addf %add3A_171, %gather3A_177 : vector<16xf32>
        %xor3A_179 = arith.constant 4 : i32
        %xor3A_180 = vector.broadcast %xor3A_179 : i32 to vector<16xi32>
        %xor3A_181 = arith.xori %iota3A_164, %xor3A_180 : vector<16xi32>
        %broadcast_in_dim3A_182 = vector.shape_cast %xor3A_181 : vector<16xi32> to vector<16x1xi32>
        %gather3A_183 = vector.shape_cast %broadcast_in_dim3A_182 : vector<16x1xi32> to vector<16xi32>
        %gather3A_184 = tpu.dynamic_gather %add3A_178[%gather3A_183] in [0] : vector<16xf32>, vector<16xi32> -> vector<16xf32>
        %add3A_185 = arith.addf %add3A_178, %gather3A_184 : vector<16xf32>
        %xor3A_186 = arith.constant 8 : i32
        %xor3A_187 = vector.broadcast %xor3A_186 : i32 to vector<16xi32>
        %xor3A_188 = arith.xori %iota3A_164, %xor3A_187 : vector<16xi32>
        %broadcast_in_dim3A_189 = vector.shape_cast %xor3A_188 : vector<16xi32> to vector<16x1xi32>
        %gather3A_190 = vector.shape_cast %broadcast_in_dim3A_189 : vector<16x1xi32> to vector<16xi32>
        %gather3A_191 = tpu.dynamic_gather %add3A_185[%gather3A_190] in [0] : vector<16xf32>, vector<16xi32> -> vector<16xf32>
        %add3A_192 = arith.addf %add3A_185, %gather3A_191 : vector<16xf32>
        %add3A_193 = arith.addf %scan3A_161#2, %scan3A_161#3 : vector<16xf32>
        %iota3A_194 = tpu.iota {dimensions = array<i32: 0>} : vector<16xi32>
        %xor3A_195 = arith.constant 1 : i32
        %xor3A_196 = vector.broadcast %xor3A_195 : i32 to vector<16xi32>
        %xor3A_197 = arith.xori %iota3A_194, %xor3A_196 : vector<16xi32>
        %broadcast_in_dim3A_198 = vector.shape_cast %xor3A_197 : vector<16xi32> to vector<16x1xi32>
        %gather3A_199 = vector.shape_cast %broadcast_in_dim3A_198 : vector<16x1xi32> to vector<16xi32>
        %gather3A_200 = tpu.dynamic_gather %add3A_193[%gather3A_199] in [0] : vector<16xf32>, vector<16xi32> -> vector<16xf32>
        %add3A_201 = arith.addf %add3A_193, %gather3A_200 : vector<16xf32>
        %xor3A_202 = arith.constant 2 : i32
        %xor3A_203 = vector.broadcast %xor3A_202 : i32 to vector<16xi32>
        %xor3A_204 = arith.xori %iota3A_194, %xor3A_203 : vector<16xi32>
        %broadcast_in_dim3A_205 = vector.shape_cast %xor3A_204 : vector<16xi32> to vector<16x1xi32>
        %gather3A_206 = vector.shape_cast %broadcast_in_dim3A_205 : vector<16x1xi32> to vector<16xi32>
        %gather3A_207 = tpu.dynamic_gather %add3A_201[%gather3A_206] in [0] : vector<16xf32>, vector<16xi32> -> vector<16xf32>
        %add3A_208 = arith.addf %add3A_201, %gather3A_207 : vector<16xf32>
        %xor3A_209 = arith.constant 4 : i32
        %xor3A_210 = vector.broadcast %xor3A_209 : i32 to vector<16xi32>
        %xor3A_211 = arith.xori %iota3A_194, %xor3A_210 : vector<16xi32>
        %broadcast_in_dim3A_212 = vector.shape_cast %xor3A_211 : vector<16xi32> to vector<16x1xi32>
        %gather3A_213 = vector.shape_cast %broadcast_in_dim3A_212 : vector<16x1xi32> to vector<16xi32>
        %gather3A_214 = tpu.dynamic_gather %add3A_208[%gather3A_213] in [0] : vector<16xf32>, vector<16xi32> -> vector<16xf32>
        %add3A_215 = arith.addf %add3A_208, %gather3A_214 : vector<16xf32>
        %xor3A_216 = arith.constant 8 : i32
        %xor3A_217 = vector.broadcast %xor3A_216 : i32 to vector<16xi32>
        %xor3A_218 = arith.xori %iota3A_194, %xor3A_217 : vector<16xi32>
        %broadcast_in_dim3A_219 = vector.shape_cast %xor3A_218 : vector<16xi32> to vector<16x1xi32>
        %gather3A_220 = vector.shape_cast %broadcast_in_dim3A_219 : vector<16x1xi32> to vector<16xi32>
        %gather3A_221 = tpu.dynamic_gather %add3A_215[%gather3A_220] in [0] : vector<16xf32>, vector<16xi32> -> vector<16xf32>
        %add3A_222 = arith.addf %add3A_215, %gather3A_221 : vector<16xf32>
        %sub3A_223 = arith.constant 1.000000e+00 : f32
        %sub3A_224 = vector.broadcast %sub3A_223 : f32 to vector<16xf32>
        %sub3A_225 = arith.subf %add3A_192, %sub3A_224 : vector<16xf32>
        %div3A_226 = arith.divf %sub3A_225, %add3A_222 : vector<16xf32>
        %max3A_227 = arith.maximumf %min3A, %div3A_226 : vector<16xf32>
        %min3A_228 = arith.minimumf %scan3A_69#1, %max3A_227 : vector<16xf32>
        %scan3A_229 = arith.constant 0 : i32
        %scan3A_230 = arith.constant 0 : i32
        %scan3A_231 = arith.constant 16 : i32
        %scan3A_232 = arith.addi %scan3A_230, %scan3A_231 : i32
        %scan3A_233 = arith.constant 1 : i32
        %scan3A_234 = scf.for %scan3A_237 = %scan3A_230 to %scan3A_232 step %scan3A_233 iter_args(%scan3A_238 = %scan3A_229) -> (i32)  : i32 {
          %mul3A_239 = arith.constant 128 : i32
          %mul3A_240 = arith.muli %scan3A_237, %mul3A_239 : i32
          %add3A_241 = arith.addi %mul3A_27, %mul3A_240 : i32
          %add3A_242 = arith.constant 0 : i32
          %add3A_243 = arith.addi %add3A_241, %add3A_242 : i32
          %get3A_244 = arith.index_cast %add3A_243 : i32 to index
          %get3A_245 = tpu.vector_load %arg4[%get3A_244] {strides = array<i32>} : memref<32768xf32, #tpu.memory_space<vmem>>, vector<16xf32>,
          %get3A_246 = vector.shape_cast %get3A_245 : vector<16xf32> to vector<16xf32>
          %sub3A_247 = arith.subf %get3A_246, %min3A_228 : vector<16xf32>
          %max3A_248 = arith.constant 0.000000e+00 : f32
          %max3A_249 = vector.broadcast %max3A_248 : f32 to vector<16xf32>
          %max3A_250 = arith.maximumf %sub3A_247, %max3A_249 : vector<16xf32>
          %swap3A = arith.index_cast %add3A_243 : i32 to index
          %swap3A_251 = tpu.vector_load %arg5[%swap3A] {strides = array<i32>} : memref<32768xf32, #tpu.memory_space<vmem>>, vector<16xf32>,
          %swap3A_252 = vector.shape_cast %swap3A_251 : vector<16xf32> to vector<16xf32>
          %swap3A_253 = vector.shape_cast %max3A_250 : vector<16xf32> to vector<16xf32>
          tpu.vector_store %arg5[%swap3A], %swap3A_253 {strides = array<i32>} : memref<32768xf32, #tpu.memory_space<vmem>>, vector<16xf32>,
          %add3A_254 = arith.constant 16 : i32
          %add3A_255 = arith.addi %add3A_241, %add3A_254 : i32
          %get3A_256 = arith.index_cast %add3A_255 : i32 to index
          %get3A_257 = tpu.vector_load %arg4[%get3A_256] {strides = array<i32>} : memref<32768xf32, #tpu.memory_space<vmem>>, vector<16xf32>,
          %get3A_258 = vector.shape_cast %get3A_257 : vector<16xf32> to vector<16xf32>
          %sub3A_259 = arith.subf %get3A_258, %min3A_228 : vector<16xf32>
          %max3A_260 = arith.constant 0.000000e+00 : f32
          %max3A_261 = vector.broadcast %max3A_260 : f32 to vector<16xf32>
          %max3A_262 = arith.maximumf %sub3A_259, %max3A_261 : vector<16xf32>
          %swap3A_263 = arith.index_cast %add3A_255 : i32 to index
          %swap3A_264 = tpu.vector_load %arg5[%swap3A_263] {strides = array<i32>} : memref<32768xf32, #tpu.memory_space<vmem>>, vector<16xf32>,
          %swap3A_265 = vector.shape_cast %swap3A_264 : vector<16xf32> to vector<16xf32>
          %swap3A_266 = vector.shape_cast %max3A_262 : vector<16xf32> to vector<16xf32>
          tpu.vector_store %arg5[%swap3A_263], %swap3A_266 {strides = array<i32>} : memref<32768xf32, #tpu.memory_space<vmem>>, vector<16xf32>,
          %add3A_267 = arith.constant 32 : i32
          %add3A_268 = arith.addi %add3A_241, %add3A_267 : i32
          %get3A_269 = arith.index_cast %add3A_268 : i32 to index
          %get3A_270 = tpu.vector_load %arg4[%get3A_269] {strides = array<i32>} : memref<32768xf32, #tpu.memory_space<vmem>>, vector<16xf32>,
          %get3A_271 = vector.shape_cast %get3A_270 : vector<16xf32> to vector<16xf32>
          %sub3A_272 = arith.subf %get3A_271, %min3A_228 : vector<16xf32>
          %max3A_273 = arith.constant 0.000000e+00 : f32
          %max3A_274 = vector.broadcast %max3A_273 : f32 to vector<16xf32>
          %max3A_275 = arith.maximumf %sub3A_272, %max3A_274 : vector<16xf32>
          %swap3A_276 = arith.index_cast %add3A_268 : i32 to index
          %swap3A_277 = tpu.vector_load %arg5[%swap3A_276] {strides = array<i32>} : memref<32768xf32, #tpu.memory_space<vmem>>, vector<16xf32>,
          %swap3A_278 = vector.shape_cast %swap3A_277 : vector<16xf32> to vector<16xf32>
          %swap3A_279 = vector.shape_cast %max3A_275 : vector<16xf32> to vector<16xf32>
          tpu.vector_store %arg5[%swap3A_276], %swap3A_279 {strides = array<i32>} : memref<32768xf32, #tpu.memory_space<vmem>>, vector<16xf32>,
          %add3A_280 = arith.constant 48 : i32
          %add3A_281 = arith.addi %add3A_241, %add3A_280 : i32
          %get3A_282 = arith.index_cast %add3A_281 : i32 to index
          %get3A_283 = tpu.vector_load %arg4[%get3A_282] {strides = array<i32>} : memref<32768xf32, #tpu.memory_space<vmem>>, vector<16xf32>,
          %get3A_284 = vector.shape_cast %get3A_283 : vector<16xf32> to vector<16xf32>
          %sub3A_285 = arith.subf %get3A_284, %min3A_228 : vector<16xf32>
          %max3A_286 = arith.constant 0.000000e+00 : f32
          %max3A_287 = vector.broadcast %max3A_286 : f32 to vector<16xf32>
          %max3A_288 = arith.maximumf %sub3A_285, %max3A_287 : vector<16xf32>
          %swap3A_289 = arith.index_cast %add3A_281 : i32 to index
          %swap3A_290 = tpu.vector_load %arg5[%swap3A_289] {strides = array<i32>} : memref<32768xf32, #tpu.memory_space<vmem>>, vector<16xf32>,
          %swap3A_291 = vector.shape_cast %swap3A_290 : vector<16xf32> to vector<16xf32>
          %swap3A_292 = vector.shape_cast %max3A_288 : vector<16xf32> to vector<16xf32>
          tpu.vector_store %arg5[%swap3A_289], %swap3A_292 {strides = array<i32>} : memref<32768xf32, #tpu.memory_space<vmem>>, vector<16xf32>,
          %add3A_293 = arith.constant 64 : i32
          %add3A_294 = arith.addi %add3A_241, %add3A_293 : i32
          %get3A_295 = arith.index_cast %add3A_294 : i32 to index
          %get3A_296 = tpu.vector_load %arg4[%get3A_295] {strides = array<i32>} : memref<32768xf32, #tpu.memory_space<vmem>>, vector<16xf32>,
          %get3A_297 = vector.shape_cast %get3A_296 : vector<16xf32> to vector<16xf32>
          %sub3A_298 = arith.subf %get3A_297, %min3A_228 : vector<16xf32>
          %max3A_299 = arith.constant 0.000000e+00 : f32
          %max3A_300 = vector.broadcast %max3A_299 : f32 to vector<16xf32>
          %max3A_301 = arith.maximumf %sub3A_298, %max3A_300 : vector<16xf32>
          %swap3A_302 = arith.index_cast %add3A_294 : i32 to index
          %swap3A_303 = tpu.vector_load %arg5[%swap3A_302] {strides = array<i32>} : memref<32768xf32, #tpu.memory_space<vmem>>, vector<16xf32>,
          %swap3A_304 = vector.shape_cast %swap3A_303 : vector<16xf32> to vector<16xf32>
          %swap3A_305 = vector.shape_cast %max3A_301 : vector<16xf32> to vector<16xf32>
          tpu.vector_store %arg5[%swap3A_302], %swap3A_305 {strides = array<i32>} : memref<32768xf32, #tpu.memory_space<vmem>>, vector<16xf32>,
          %add3A_306 = arith.constant 80 : i32
          %add3A_307 = arith.addi %add3A_241, %add3A_306 : i32
          %get3A_308 = arith.index_cast %add3A_307 : i32 to index
          %get3A_309 = tpu.vector_load %arg4[%get3A_308] {strides = array<i32>} : memref<32768xf32, #tpu.memory_space<vmem>>, vector<16xf32>,
          %get3A_310 = vector.shape_cast %get3A_309 : vector<16xf32> to vector<16xf32>
          %sub3A_311 = arith.subf %get3A_310, %min3A_228 : vector<16xf32>
          %max3A_312 = arith.constant 0.000000e+00 : f32
          %max3A_313 = vector.broadcast %max3A_312 : f32 to vector<16xf32>
          %max3A_314 = arith.maximumf %sub3A_311, %max3A_313 : vector<16xf32>
          %swap3A_315 = arith.index_cast %add3A_307 : i32 to index
          %swap3A_316 = tpu.vector_load %arg5[%swap3A_315] {strides = array<i32>} : memref<32768xf32, #tpu.memory_space<vmem>>, vector<16xf32>,
          %swap3A_317 = vector.shape_cast %swap3A_316 : vector<16xf32> to vector<16xf32>
          %swap3A_318 = vector.shape_cast %max3A_314 : vector<16xf32> to vector<16xf32>
          tpu.vector_store %arg5[%swap3A_315], %swap3A_318 {strides = array<i32>} : memref<32768xf32, #tpu.memory_space<vmem>>, vector<16xf32>,
          %add3A_319 = arith.constant 96 : i32
          %add3A_320 = arith.addi %add3A_241, %add3A_319 : i32
          %get3A_321 = arith.index_cast %add3A_320 : i32 to index
          %get3A_322 = tpu.vector_load %arg4[%get3A_321] {strides = array<i32>} : memref<32768xf32, #tpu.memory_space<vmem>>, vector<16xf32>,
          %get3A_323 = vector.shape_cast %get3A_322 : vector<16xf32> to vector<16xf32>
          %sub3A_324 = arith.subf %get3A_323, %min3A_228 : vector<16xf32>
          %max3A_325 = arith.constant 0.000000e+00 : f32
          %max3A_326 = vector.broadcast %max3A_325 : f32 to vector<16xf32>
          %max3A_327 = arith.maximumf %sub3A_324, %max3A_326 : vector<16xf32>
          %swap3A_328 = arith.index_cast %add3A_320 : i32 to index
          %swap3A_329 = tpu.vector_load %arg5[%swap3A_328] {strides = array<i32>} : memref<32768xf32, #tpu.memory_space<vmem>>, vector<16xf32>,
          %swap3A_330 = vector.shape_cast %swap3A_329 : vector<16xf32> to vector<16xf32>
          %swap3A_331 = vector.shape_cast %max3A_327 : vector<16xf32> to vector<16xf32>
          tpu.vector_store %arg5[%swap3A_328], %swap3A_331 {strides = array<i32>} : memref<32768xf32, #tpu.memory_space<vmem>>, vector<16xf32>,
          %add3A_332 = arith.constant 112 : i32
          %add3A_333 = arith.addi %add3A_241, %add3A_332 : i32
          %get3A_334 = arith.index_cast %add3A_333 : i32 to index
          %get3A_335 = tpu.vector_load %arg4[%get3A_334] {strides = array<i32>} : memref<32768xf32, #tpu.memory_space<vmem>>, vector<16xf32>,
          %get3A_336 = vector.shape_cast %get3A_335 : vector<16xf32> to vector<16xf32>
          %sub3A_337 = arith.subf %get3A_336, %min3A_228 : vector<16xf32>
          %max3A_338 = arith.constant 0.000000e+00 : f32
          %max3A_339 = vector.broadcast %max3A_338 : f32 to vector<16xf32>
          %max3A_340 = arith.maximumf %sub3A_337, %max3A_339 : vector<16xf32>
          %swap3A_341 = arith.index_cast %add3A_333 : i32 to index
          %swap3A_342 = tpu.vector_load %arg5[%swap3A_341] {strides = array<i32>} : memref<32768xf32, #tpu.memory_space<vmem>>, vector<16xf32>,
          %swap3A_343 = vector.shape_cast %swap3A_342 : vector<16xf32> to vector<16xf32>
          %swap3A_344 = vector.shape_cast %max3A_340 : vector<16xf32> to vector<16xf32>
          tpu.vector_store %arg5[%swap3A_341], %swap3A_344 {strides = array<i32>} : memref<32768xf32, #tpu.memory_space<vmem>>, vector<16xf32>,
          %scan3A_345 = arith.constant 0 : i32
          scf.yield %scan3A_345 : i32
        }
        %scan3A_235 = arith.constant 16 : i32
        %scan3A_236 = arith.constant 0 : i32
        scf.yield %scan3A_236 : i32
      }
      %scan3A_22 = arith.constant 16 : i32
      "tpu.region"() ({
        %run_scoped3A = tpu.sem_alloc : memref<!tpu.dma_semaphore, #tpu.memory_space<semaphore_mem>>
        %dma_start3A = tpu.memref_slice %arg3[%mul3A_15] : memref<16777216xf32, #tpu.memory_space<hbm>> -> memref<32768xf32, #tpu.memory_space<hbm>>
        %dma_start3A_24 = tpu.memref_slice %arg3[%mul3A_15] : memref<16777216xf32, #tpu.memory_space<hbm>> -> memref<32768xf32, #tpu.memory_space<hbm>>
        tpu.enqueue_dma source(%arg5 : memref<32768xf32, #tpu.memory_space<vmem>>) target(%dma_start3A_24 : memref<32768xf32, #tpu.memory_space<hbm>>) target_semaphore(%run_scoped3A : memref<!tpu.dma_semaphore, #tpu.memory_space<semaphore_mem>>)
        %dma_wait3A = tpu.memref_slice %arg3[%mul3A_15] : memref<16777216xf32, #tpu.memory_space<hbm>> -> memref<32768xf32, #tpu.memory_space<hbm>>
        %dma_wait3A_25 = tpu.memref_slice %arg3[%mul3A_15] : memref<16777216xf32, #tpu.memory_space<hbm>> -> memref<32768xf32, #tpu.memory_space<hbm>>
        tpu.wait_dma2 semaphore(%run_scoped3A : memref<!tpu.dma_semaphore, #tpu.memory_space<semaphore_mem>>) src(%arg5 : memref<32768xf32, #tpu.memory_space<vmem>>) dst(%dma_wait3A_25 : memref<32768xf32, #tpu.memory_space<hbm>>)
        tpu.yield
      }) : () -> ()
      %scan3A_23 = arith.constant 0 : i32
      scf.yield %scan3A_23 : i32
    }
    %scan3A_8 = arith.constant 16 : i32
    return
  }
}

</mosaic_0001>

<sc_bundles>
// kernel: kernel.3.cloned.1.call-start
scs
__scs_entry_jumppad:
0x0: {  	(pc) =	sbr.rel $0x88, $3  }
0x1: {  	(tag) =	ssettag $0x0;
	lr =	simm.s32 $0x1  }
0x2: {  	[smem:$0x3FA0] =	sst lr;
	_ =	strace $0xD0000000  }
0x3: {  	_ = 	snop  }
0x4: {  	_ = 	snop  }
0x5: {  	_ = 	snop  }
0x6: {  	_ = 	snop  }
0x7: {  	_ = 	snop  }
__scs_overlays_trampoline_lowered:
0x8: {  	[smem:$0x3FAF] =	sst s0  }
0x9: {  	[smem:$0x3FB0] =	sst s1  }
0xa: {  	[smem:$0x3FB1] =	sst s2  }
0xb: {  	[smem:$0x3FB2] =	sst s3  }
0xc: {  	[smem:$0x3FB3] =	sst s4  }
0xd: {  	[smem:$0x3FB4] =	sst s5  }
0xe: {  	[smem:$0x3FB5] =	sst s6  }
0xf: {  	[smem:$0x3FB6] =	sst s7  }
0x10: {  	[smem:$0x3FB7] =	sst s8  }
0x11: {  	[smem:$0x3FB8] =	sst s9;
	s0 =	simm.s32 @!p0 $0x0  }
0x12: {  	s1 =	sld [smem:$0x3F9E];
	s0 =	simm.s32 @p0 $0x1  }
0x13: {  	[smem:$0x3FB9] =	sst s0;
	s0 =	simm.s32 @!p1 $0x0  }
0x14: {  	s2 =	sld [smem:$0x3F9D];
	s0 =	simm.s32 @p1 $0x1  }
0x15: {  	[smem:$0x3FBA] =	sst s0;
	s0 =	simm.s32 @!p2 $0x0  }
0x16: {  	s3 =	sld [smem:$0x3FDB];
	s0 =	simm.s32 @p2 $0x1  }
0x17: {  	s4 =	simm.s32 $0x1BF5;
	[smem:$0x3FBC] =	sst s0  }
0x18: {  	s0 =	sld [smem:$0x3F9F];
	_ =	swait.ge [sflag:s4], $0x0  }
0x19: {  	s7 =	sld [smem:$0x3FA0]  }
0x1a: {  	s8 =	sadd.s32 $0xFFFFE003, lr  }
0x1b: {  	s9 =	sadd.s32 $0xFFFFFEF7, lr;
	s5 =	simm.s32 $0xFFFFFFFF;
	p2 =	slt.u32 s8, $0xFFFFF086  }
0x1c: {  	p1 =	slt.u32 s9, $0xF7A;
	s5 =	simm.s32 @!p2 $0x0  }
0x1d: {  	s5 =	simm.s32 @p1 $0x1;
	p0 =	seq.s32 s7, s2  }
0x1e: {  	s7 =	smul.u32 @!p0 $0xF7A, s2;
	p2 =	seq.s32 @!p0 s5, $0x0  }
0x1f: {  	s9 =	smul.u32 $0xF7A, s1;
	s8 =	simm.s32 @!p0 $0x1BF5;
	p2 =	por !p2, p0  }
0x20: {  	[sflag:s8] =	ssyncset.s32 @!p0 $0xFFFFF086;
	s6 =	sadd.s32 @!p0 s3, s7;
	s7 =	simm.s32 @!p0 $0x108  }
0x21: {  	s3 =	sadd.s32 s3, s9;
	s6 =	sadd.s32 @!p0 $0x88, s6;
	s7 =	simm.s32 @p2 $0x1082  }
0x22: {  	[simem:s7], [sflag:s8] =	dma.local @!p0 [hbm:s6], $0xF7A  }
0x23: {  	s9 =	sor.u32 $0xD0000000, s2;
	s6 =	simm.s32 $0x108;
	_ =	swait.ge @!p0 [sflag:s8], $0x0  }
0x24: {  	s3 =	sadd.s32 $0x88, s3;
	s6 =	simm.s32 @!p1 $0x1082;
	[sflag:s4] =	ssyncset.s32 $0xFFFFF086  }
0x25: {  	[simem:s6], [sflag:s4] =	dma.local [hbm:s3], $0xF7A  }
0x26: {  	[smem:$0x3FA0] =	sst s1;
	(tag) =	ssettag s2;
	_ =	strace s9  }
0x27: {  	s1 =	sld [smem:$0x3FB0]  }
0x28: {  	s2 =	sld [smem:$0x3FB1]  }
0x29: {  	s4 =	sld [smem:$0x3FB3]  }
0x2a: {  	p0 =	seq.s32 s5, $0x0;
	s5 =	sld [smem:$0x3FB4]  }
0x2b: {  	s6 =	sld [smem:$0x3FB5]  }
0x2c: {  	s7 =	sld [smem:$0x3FB6]  }
0x2d: {  	s3 =	simm.s32 $0x108;
	s8 =	sld [smem:$0x3FB7]  }
0x2e: {  	s3 =	simm.s32 @!p0 $0x1082;
	s9 =	sld [smem:$0x3FB8]  }
0x2f: {  	lr =	sadd.s32 s0, s3;
	s0 =	sld [smem:$0x3FAF]  }
0x30: {  	s3 =	sld [smem:$0x3FB2]  }
0x31: {  	[smem:$0x3FBB] =	sst s10  }
0x32: {  	s10 =	sld [smem:$0x3FB9];
	_ =	sdelay $0x3  }
0x33: {  	p0 =	seq.s32 s10, $0x1;
	s10 =	sld [smem:$0x3FBB];
	_ =	sdelay $0x3  }
0x34: {  	[smem:$0x3FBB] =	sst s10  }
0x35: {  	s10 =	sld [smem:$0x3FBA];
	_ =	sdelay $0x3  }
0x36: {  	p1 =	seq.s32 s10, $0x1;
	s10 =	sld [smem:$0x3FBB];
	_ =	sdelay $0x3  }
0x37: {  	[smem:$0x3FBB] =	sst s10  }
0x38: {  	s10 =	sld [smem:$0x3FBC]  }
0x39: {  	_ = 	snop;
	(pc) =	sbr.ind lr, $3  }
0x3a: {  	_ = 	snop  }
0x3b: {  	_ = 	snop  }
0x3c: {  	p2 =	seq.s32 s10, $0x1;
	s10 =	sld [smem:$0x3FBB]  }
0x3d: {  	_ =	shalt  }
0x3e: {  	_ =	shalt  }
0x3f: {  	_ =	shalt  }
0x40: {  	_ =	shalt  }
0x41: {  	_ =	shalt  }
0x42: {  	_ =	shalt  }
0x43: {  	_ =	shalt  }
0x44: {  	_ =	shalt  }
0x45: {  	_ =	shalt  }
0x46: {  	_ =	shalt  }
0x47: {  	_ =	shalt  }
0x48: {  	_ =	shalt  }
0x49: {  	_ =	shalt  }
0x4a: {  	_ =	shalt  }
0x4b: {  	_ =	shalt  }
0x4c: {  	_ =	shalt  }
0x4d: {  	_ =	shalt  }
0x4e: {  	_ =	shalt  }
0x4f: {  	_ =	shalt  }
0x50: {  	_ =	shalt  }
0x51: {  	_ =	shalt  }
0x52: {  	_ =	shalt  }
0x53: {  	_ =	shalt  }
0x54: {  	_ =	shalt  }
0x55: {  	_ =	shalt  }
0x56: {  	_ =	shalt  }
0x57: {  	_ =	shalt  }
0x58: {  	_ =	shalt  }
0x59: {  	_ =	shalt  }
0x5a: {  	_ =	shalt  }
0x5b: {  	_ =	shalt  }
0x5c: {  	_ =	shalt  }
0x5d: {  	_ =	shalt  }
0x5e: {  	_ =	shalt  }
0x5f: {  	_ =	shalt  }
0x60: {  	_ =	shalt  }
0x61: {  	_ =	shalt  }
0x62: {  	_ =	shalt  }
0x63: {  	_ =	shalt  }
0x64: {  	_ =	shalt  }
0x65: {  	_ =	shalt  }
0x66: {  	_ =	shalt  }
0x67: {  	_ =	shalt  }
0x68: {  	_ =	shalt  }
0x69: {  	_ =	shalt  }
0x6a: {  	_ =	shalt  }
0x6b: {  	_ =	shalt  }
0x6c: {  	_ =	shalt  }
0x6d: {  	_ =	shalt  }
0x6e: {  	_ =	shalt  }
0x6f: {  	_ =	shalt  }
0x70: {  	_ =	shalt  }
0x71: {  	_ =	shalt  }
0x72: {  	_ =	shalt  }
0x73: {  	_ =	shalt  }
0x74: {  	_ =	shalt  }
0x75: {  	_ =	shalt  }
0x76: {  	_ =	shalt  }
0x77: {  	_ =	shalt  }
0x78: {  	_ =	shalt  }
0x79: {  	_ =	shalt  }
0x7a: {  	_ =	shalt  }
0x7b: {  	_ =	shalt  }
0x7c: {  	_ =	shalt  }
0x7d: {  	_ =	shalt  }
0x7e: {  	_ =	shalt  }
0x7f: {  	_ =	shalt  }
0x80: {  	_ =	shalt  }
0x81: {  	_ =	shalt  }
0x82: {  	_ =	shalt  }
0x83: {  	_ =	shalt  }
0x84: {  	_ =	shalt  }
0x85: {  	_ =	shalt  }
0x86: {  	_ =	shalt  }
0x87: {  	_ =	shalt  }
.Lfunc_end0:
.L_simem_size_0:
called_computation.1_lowered:
.L_overlay_start_0:
0x88: {  	s2 =	sld [smem:$0x3FD9]  }
0x89: {  	s3 =	sld [smem:$0x3FFE];
	_ =	sdelay $0x1  }
0x8a: {  	s1 =	srdreg.scid  }
0x8b: {  	s0 =	sand.u32 $0x1, s1  }
0x8c: {  	s17 =	sshll.u32 s0, $0xA;
	s2 =	sadd.s32 s3, s2  }
0x8d: {  	s2 =	sadd.s32 s2, s17  }
0x8e: {  	[smem:$0x3FC7] =	sst s2  }
0x8f: {  	_ = 	snop  }
0x90: {  	s2 =	sld [smem:$0x3FD0];
	(tm) =	ssettm $0x1  }
0x91: {  	s18 =	sld [smem:$0x3FFB];
	_ =	sdelay $0x3  }
0x92: {  	_ =	strace s18  }
0x93: {  	s3 =	sld [smem:$0x3FFC];
	_ =	sdelay $0x3  }
0x94: {  	_ =	strace s3  }
0x95: {  	s3 =	sld [smem:$0x3FFD];
	_ =	sdelay $0x3  }
0x96: {  	_ =	strace s3  }
0x97: {  	_ =	strace $0x8FFFFFFF  }
0x98: {  	s19 =	sld [smem:$0x3FDB];
	_ =	sdelay $0x1  }
0x99: {  	s4 =	simm.s32 $_scs_section_size  }
0x9a: {  	s5 =	simm.s32 $_size__tile_overlayer_lowered;
	s6 =	simm.s32 $_tile_overlayer_lowered  }
0x9b: {  	s22 =	simm.s32 $0x1BFF;
	s21 =	sshll.u32 s6, $0x1;
	s3 =	sadd.s32 s4, s19  }
0x9c: {  	s7 =	simm.s32 $0x0;
	s20 =	sshll.u32 s5, $0x1;
	s5 =	sadd.s32 s21, s3  }
0x9d: {  	[timem:s7], [sflag:s22] =	dma.local [hbm:s5], s20  }
0x9e: {  	_ =	swait.ge [sflag:s22], s20  }
0x9f: {  	s4 =	ssub.s32 $0x0, s20;
	[sflag:s22] =	ssyncset.done $0x0  }
0xa0: {  	[sflag:s22] =	ssyncadd.s32 s4;
	_ =	sdelay $0x1  }
0xa1: {  	s23 =	simm.s32 $0x1B8B  }
0xa2: {  	_ =	swait.ge [sflag:s23], $0x1  }
0xa3: {  	[sflag:s23] =	ssyncset.done $0x0  }
0xa4: {  	s25 =	simm.s32 $0x1B8E;
	s24 =	sld [smem:$0x3FFE];
	[sflag:s23] =	ssyncadd.s32 $0xFFFFFFFF  }
0xa5: {  	s26 =	simm.s32 $execute0_lowered;
	[smem:$0x3FD2] =	sst s25  }
0xa6: {  	s5 =	sshll.u32 s26, $0x1;
	_ =	strace $0x80000049;
	[dreg:$0x1] =	wrdreg $0xFFFFFFFF  }
0xa7: {  	s28 =	simm.s32 $_size_execute0_lowered;
	s3 =	sadd.s32 s3, s5;
	[dreg:$0x0] =	wrdreg $0x0  }
0xa8: {  	s5 =	sshll.u32 s28, $0x1;
	[dreg:$0x2] =	wrdreg s3  }
0xa9: {  	[dreg:$0x3] =	wrdreg s5  }
0xaa: {  	[dreg:$0x4] =	wrdreg $0xC0  }
0xab: {  	_ =	task [dreg:s7], $0x5FFFF  }
0xac: {  	[dreg:$0x1] =	wrdreg $0xFFFFFFFF  }
0xad: {  	[dreg:$0x0] =	wrdreg $0x60  }
0xae: {  	[dreg:$0x2] =	wrdreg s2  }
0xaf: {  	[dreg:$0x3] =	wrdreg s24  }
0xb0: {  	[dreg:$0x4] =	wrdreg $0x9  }
0xb1: {  	_ =	task.clear_ibuf [dreg:s7], $0x5FFFF;
	_ =	strace $0x90000049  }
0xb2: {  	s29 =	simm.s32 $0x9;
	_ =	strace $0x8000004B  }
0xb3: {  	_ =	swait.ge [sflag:s29], $0x1  }
0xb4: {  	[sflag:s29] =	ssyncadd.s32 $0xFFFFFFFF  }
0xb5: {  	_ =	strace $0x9000004B  }
0xb6: {  	_ =	sfence  }
0xb7: {  	s30 =	sld [smem:$0x0];
	_ =	sdelay $0x2  }
0xb8: {  	s31 =	sshll.u32 s1, $0xD;
	s1 =	sshrl.u32 s1, $0x2  }
0xb9: {  	s3 =	sand.u32 $0x4000, s31;
	s1 =	sadd.s32 s1, s30  }
0xba: {  	s0 =	sor.u32 s3, s0;
	s1 =	sshll.u32 s1, $0x11  }
0xbb: {  	s0 =	sor.u32 s1, s0  }
0xbc: {  	s0 =	sadd.s32 $0x8F2B, s0  }
0xbd: {  	[sflag:s0] =	ssyncadd.remote.s32 $0x1  }
0xbe: {  	_ =	sfence.sel $0xFFFF  }
0xbf: {  	[dreg:$0x0] =	wrdreg $0xFFFFFFFF;
	(pc) =	sbr.abs _section_cstart, $3  }
0xc0: {  	[dreg:$0x1] =	wrdreg $0xFFFFFFFF  }
0xc1: {  	_ =	task.clear_ibuf [dreg:s7], $0x2FFFF;
	_ =	strace $0x9FFFFFFF  }
0xc2: {  	(tm) =	ssettm $0x7FFFFFFF  }
0xc3: {  	_ =	shalt  }
tec
execute0_lowered:
.L_overlay_start_1:
0x0: {  	(tag) =	ssettag $0x1  }
0x1: {  	v0 =	vimm.s32 $0xEFCDAB89;
	v1 =	vimm.s32 $0x67452301  }
0x2: {  	v2 =	vimm.s32 $0xDCFE98BA;
	v3 =	vimm.s32 $0x54761032;
	v4 =	vimm.s32 $0xBA98FEDC  }
0x3: {  	v5 =	vimm.s32 $0x32107654;
	v6 =	vimm.s32 $0xFEDCBA98;
	v7 =	vimm.s32 $0x76543210  }
0x4: {  	v0 =	vunpack.c.l.s4.s8 v0;
	v1 =	vunpack.c.l.s4.s8 v1;
	v2 =	vunpack.c.l.s4.s8 v2  }
0x5: {  	s0 =	rddreg [dreg:$0x0];
	v3 =	vunpack.c.l.s4.s8 v3;
	v4 =	vunpack.c.l.s4.s8 v4;
	v5 =	vunpack.c.l.s4.s8 v5  }
0x6: {  	s4 =	rddreg [dreg:$0x1];
	v6 =	vunpack.c.l.s4.s8 v6;
	v7 =	vunpack.c.l.s4.s8 v7;
	v0 =	vunpack.c.0.s8.s32 v0  }
0x7: {  	s3 =	srdreg.scid;
	s1 =	rddreg [dreg:$0x2];
	s2 =	simm.s32 $0x0;
	v1 =	vunpack.c.0.s8.s32 v1;
	v2 =	vunpack.c.0.s8.s32 v2;
	v3 =	vunpack.c.0.s8.s32 v3  }
0x8: {  	s8 =	simm.s32 $0x8000;
	s9 =	simm.s32 $0x0;
	s5 =	sand.u32 $0x1, s3;
	v4 =	vunpack.c.0.s8.s32 v4;
	v5 =	vunpack.c.0.s8.s32 v5;
	v6 =	vunpack.c.0.s8.s32 v6  }
0x9: {  	[smem:$0x7FF] =	sst s2;
	s3 =	stileid.u32;
	s6 =	ssub.s32 $0x2, s5;
	v7 =	vunpack.c.0.s8.s32 v7;
	v0 =	vcombine.low v1, v0  }
0xa: {  	s4 =	sadd.s32 $0x800, s4;
	_ =	strace $0x8000004A;
	s7 =	sshrl.u32 s6, $0x1;
	v1 =	vcombine.low v3, v2;
	v2 =	vcombine.low v5, v4;
	v3 =	vand.u32 $0xF, v6  }
0xb: {  	s31 =	sshll.u32 s3, $0x11;
	s5 =	sshll.u32 s5, $0x10;
	s6 =	ssub.s32 s6, s7;
	v4 =	vimm.f32 $0.0e+00;
	v3 =	vcombine.low v3, v7  }
0xc: {  	s5 =	sor.u32 s5, s31;
	s7 =	simm.s32 $0x1;
	s6 =	smax.u32 s6, $0x1;
	v5 =	vand.u32 $0xF, v0;
	v6 =	vand.u32 $0xF, v1;
	v7 =	vand.u32 $0xF, v2  }
.LBB2_1:
0xd: {  	s10 =	simm.s32 $0x0  }
.LBB2_2:
0xe: {  	s11 =	sshll.u32 s10, $0xC  }
0xf: {  	s11 =	sadd.s32 s5, s11  }
0x10: {  	s12 =	simm.s32 $0x0;
	s13 =	sadd.s32 s0, s11  }
0x11: {  	[tilespmem:s12], [sflag:$0x1] =	stream.linear.gather [hbm4b:s13+s12], $0x8000, $0x38;
	[tilespmem:$0x10000] =	vst v63  }
0x12: {  	_ =	swait.ge [sflag:s7], $0x8000  }
0x13: {  	[sflag:s7] =	ssyncset.done $0x0  }
0x14: {  	s14 =	simm.s32 $0x8070;
	s13 =	simm.s32 $0x40;
	[sflag:s7] =	ssyncadd.s32 $0xFFFF8000  }
.LBB2_3:
0x15: {  	v8 =	vmov s13;
	_ =	sdelay $0x2  }
0x16: {  	s15 =	sshll.u32 s12, $0xB  }
0x17: {  	v11 =	vld [tilespmem:s15+$0x0];
	s15 =	simm.s32 $0x0  }
0x18: {  	v13 =	vld.idx.msk [tilespmem:v8+s15+$0x0 ss:$0x1], $0xffff  }
0x19: {  	v10 =	vld.idx.msk [tilespmem:v8+s15+$0x10 ss:$0x1], $0xffff  }
0x1a: {  	v9 =	vld.idx.msk [tilespmem:v8+s15+$0x20 ss:$0x1], $0xffff  }
0x1b: {  	v14 =	vld.idx.msk [tilespmem:v8+s15+$0xFFFFFFC0 ss:$0x1], $0xffff  }
0x1c: {  	v12 =	vld.idx.msk [tilespmem:v8+s15+$0xFFFFFFD0 ss:$0x1], $0xffff  }
0x1d: {  	s16 =	simm.s32 $0x200;
	v15 =	vld.idx.msk [tilespmem:v8+s15+$0xFFFFFFE0 ss:$0x1], $0xffff;
	v18 =	vmov v11;
	v16 =	vmov v11;
	v17 =	vmov v11  }
.LBB2_4:
0x1e: {  	p0 =	sne.s32 s16, $0x1E00;
	v19 =	vld.idx.msk [tilespmem:v8+s15+$0xFFFFFFF0 ss:$0x1], $0xffff;
	v20 =	vmov v13  }
0x1f: {  	v22 =	vmov v10;
	v21 =	vld.idx.msk [tilespmem:v8+s15+$0x30 ss:$0x1], $0xffff;
	s15 =	sshra.s32 s16, $0x2  }
0x20: {  	v23 =	vmov v9;
	v13 =	vld.idx.msk [tilespmem:v8+s15+$0x0 ss:$0x1], $0xffff  }
.Ltmp0:
0x21: {  	v10 =	vld.idx.msk [tilespmem:v8+s15+$0x10 ss:$0x1], $0xffff;
	(pc) =	sbr.rel @p0 .LBB2_4-.Ltmp0, $4  }
0x22: {  	v11 =	vmax.f32 v11, v14;
	v9 =	vld.idx.msk [tilespmem:v8+s15+$0x20 ss:$0x1], $0xffff  }
0x23: {  	v11 =	vmax.f32 v11, v20;
	v14 =	vld.idx.msk [tilespmem:v8+s15+$0xFFFFFFC0 ss:$0x1], $0xffff  }
0x24: {  	v18 =	vmax.f32 v18, v12;
	v16 =	vmax.f32 v16, v15;
	v17 =	vmax.f32 v17, v19;
	v12 =	vld.idx.msk [tilespmem:v8+s15+$0xFFFFFFD0 ss:$0x1], $0xffff  }
0x25: {  	s16 =	sadd.s32 $0x200, s16;
	v18 =	vmax.f32 v18, v22;
	v16 =	vmax.f32 v16, v23;
	v17 =	vmax.f32 v17, v21;
	v15 =	vld.idx.msk [tilespmem:v8+s15+$0xFFFFFFE0 ss:$0x1], $0xffff  }
0x26: {  	_ =	sdelay $0x3  }
0x27: {  	v19 =	vld.idx.msk [tilespmem:v8+s15+$0xFFFFFFF0 ss:$0x1], $0xffff  }
0x28: {  	v20 =	vld.idx.msk [tilespmem:v8+s15+$0x30 ss:$0x1], $0xffff;
	_ =	sdelay $0x1  }
0x29: {  	v11 =	vmax.f32 v11, v14  }
0x2a: {  	v11 =	vmax.f32 v11, v13  }
0x2b: {  	v12 =	vmax.f32 v18, v12;
	v61 =	vmax.f32 v16, v15;
	v62 =	vmax.f32 v17, v19  }
0x2c: {  	v10 =	vmax.f32 v12, v10;
	v9 =	vmax.f32 v61, v9;
	v63 =	vmax.f32 v62, v20  }
0x2d: {  	v10 =	vmax.f32 v11, v10;
	v9 =	vmax.f32 v9, v63  }
0x2e: {  	v9 =	vmax.f32 v10, v9  }
0x2f: {  	v10 =	vperm.xlane v9, v0;
	_ =	sdelay $0x1  }
0x30: {  	v9 =	vmax.f32 v9, v10  }
0x31: {  	v10 =	vperm.xlane v9, v1;
	_ =	sdelay $0x1  }
0x32: {  	v9 =	vmax.f32 v9, v10  }
0x33: {  	v10 =	vperm.xlane v9, v2;
	_ =	sdelay $0x1  }
0x34: {  	v9 =	vmax.f32 v9, v10  }
0x35: {  	v10 =	vperm.xlane v9, v3;
	_ =	sdelay $0x1  }
0x36: {  	v9 =	vmax.f32 v9, v10  }
0x37: {  	s15 =	simm.s32 $0x0;
	v10 =	vadd.f32 $-1.000000000e+00, v9  }
.LBB2_6:
0x38: {  	_ =	sdelay $0x2  }
0x39: {  	s16 =	simm.s32 $0x0  }
0x3a: {  	v12 =	vld.idx.msk [tilespmem:v8+s16+$0xFFFFFFF0 ss:$0x1], $0xffff  }
0x3b: {  	v13 =	vld.idx.msk [tilespmem:v8+s16+$0xFFFFFFE0 ss:$0x1], $0xffff  }
0x3c: {  	v15 =	vld.idx.msk [tilespmem:v8+s16+$0xFFFFFFD0 ss:$0x1], $0xffff  }
0x3d: {  	v16 =	vld.idx.msk [tilespmem:v8+s16+$0xFFFFFFC0 ss:$0x1], $0xffff  }
0x3e: {  	v17 =	vld.idx.msk [tilespmem:v8+s16+$0x20 ss:$0x1], $0xffff  }
0x3f: {  	v18 =	vld.idx.msk [tilespmem:v8+s16+$0x30 ss:$0x1], $0xffff  }
0x40: {  	v11 =	vadd.f32 v9, v10;
	v19 =	vld.idx.msk [tilespmem:v8+s16+$0x0 ss:$0x1], $0xffff  }
0x41: {  	s17 =	simm.s32 $0x80;
	v20 =	vld.idx.msk [tilespmem:v8+s16+$0x10 ss:$0x1], $0xffff  }
0x42: {  	v22 =	vld.idx.msk [tilespmem:v8+s17+$0xFFFFFFF0 ss:$0x1], $0xffff;
	v11 =	vmul.f32 $5.000000000e-01, v11  }
0x43: {  	v27 =	vld.idx.msk [tilespmem:v8+s17+$0x0 ss:$0x1], $0xffff  }
0x44: {  	v28 =	vld.idx.msk [tilespmem:v8+s17+$0xFFFFFFC0 ss:$0x1], $0xffff;
	v13 =	vsub.f32 v13, v11  }
0x45: {  	v23 =	vld.idx.msk [tilespmem:v8+s17+$0xFFFFFFE0 ss:$0x1], $0xffff;
	v12 =	vsub.f32 v12, v11;
	v17 =	vsub.f32 v17, v11  }
0x46: {  	v24 =	vld.idx.msk [tilespmem:v8+s17+$0xFFFFFFD0 ss:$0x1], $0xffff;
	v15 =	vsub.f32 v15, v11;
	v19 =	vsub.f32 v19, v11  }
0x47: {  	v14 =	vimm.f32 $0.0e+00;
	v26 =	vld.idx.msk [tilespmem:v8+s17+$0x20 ss:$0x1], $0xffff;
	v30 =	vsub.f32 v16, v11;
	v31 =	vsub.f32 v20, v11  }
0x48: {  	v21 =	vld.idx.msk [tilespmem:v8+s17+$0x30 ss:$0x1], $0xffff;
	v16 =	vsub.f32 v18, v11;
	v27 =	vsub.f32 v27, v11;
	v13 =	vmax.f32 v13, $0.0e+00  }
0x49: {  	s16 =	simm.s32 $0x100;
	v32 =	vld.idx.msk [tilespmem:v8+s17+$0x10 ss:$0x1], $0xffff;
	v28 =	vsub.f32 v28, v11;
	v17 =	vmax.f32 v17, $0.0e+00;
	v13 =	vadd.f32 v13, v14  }
0x4a: {  	v25 =	vld.idx.msk [tilespmem:v8+s16+$0xFFFFFFF0 ss:$0x1], $0xffff;
	v29 =	vmax.f32 v12, $0.0e+00;
	v12 =	vmax.f32 v19, $0.0e+00;
	v19 =	vsub.f32 v22, v11  }
0x4b: {  	v18 =	vld.idx.msk [tilespmem:v8+s16+$0xFFFFFFE0 ss:$0x1], $0xffff;
	v15 =	vmax.f32 v15, $0.0e+00;
	v13 =	vadd.f32 v17, v13;
	v17 =	vsub.f32 v23, v11  }
0x4c: {  	v20 =	vmax.f32 v16, $0.0e+00;
	v16 =	vld.idx.msk [tilespmem:v8+s16+$0xFFFFFFC0 ss:$0x1], $0xffff;
	v63 =	vmax.f32 v31, $0.0e+00;
	v33 =	vadd.f32 v15, v14  }
0x4d: {  	v15 =	vld.idx.msk [tilespmem:v8+s16+$0xFFFFFFD0 ss:$0x1], $0xffff;
	v23 =	vsub.f32 v26, v11;
	v26 =	vadd.f32 v29, v14;
	v17 =	vmax.f32 v17, $0.0e+00  }
0x4e: {  	v22 =	vld.idx.msk [tilespmem:v8+s16+$0x20 ss:$0x1], $0xffff;
	v31 =	vmax.f32 v30, $0.0e+00;
	v29 =	vsub.f32 v24, v11;
	v34 =	vadd.f32 v17, v13  }
0x4f: {  	v30 =	vadd.f32 v63, v33;
	v17 =	vmax.f32 v19, $0.0e+00;
	v19 =	vmax.f32 v23, $0.0e+00;
	v13 =	vld.idx.msk [tilespmem:v8+s16+$0x30 ss:$0x1], $0xffff  }
0x50: {  	s17 =	simm.s32 $0x600;
	v23 =	vld.idx.msk [tilespmem:v8+s16+$0x0 ss:$0x1], $0xffff;
	v24 =	vadd.f32 v19, v34;
	v19 =	vsub.f32 v32, v11  }
.LBB2_7:
0x51: {  	p0 =	sne.s32 s17, $0x1E00;
	v32 =	vld.idx.msk [tilespmem:v8+s16+$0x10 ss:$0x1], $0xffff;
	s16 =	sshra.s32 s17, $0x2;
	s17 =	sadd.s32 $0x200, s17;
	v29 =	vmax.f32 v29, $0.0e+00;
	v21 =	vsub.f32 v21, v11;
	v14 =	vadd.f32 v31, v14;
	v31 =	vmovc v28  }
0x52: {  	v28 =	vsub.f32 v18, v11;
	v27 =	vmax.f32 v27, $0.0e+00;
	v26 =	vadd.f32 v20, v26;
	v34 =	vmovc v15;
	v33 =	vld.idx.msk [tilespmem:v8+s16+$0xFFFFFFF0 ss:$0x1], $0xffff  }
0x53: {  	v25 =	vsub.f32 v25, v11;
	v30 =	vadd.f32 v29, v30;
	v35 =	vmovc v16;
	v18 =	vld.idx.msk [tilespmem:v8+s16+$0xFFFFFFE0 ss:$0x1], $0xffff;
	v20 =	vmax.f32 v21, $0.0e+00  }
.Ltmp1:
0x54: {  	v29 =	vmax.f32 v28, $0.0e+00;
	v28 =	vsub.f32 v22, v11;
	v14 =	vadd.f32 v12, v14;
	v12 =	vmovc v27;
	v15 =	vld.idx.msk [tilespmem:v8+s16+$0xFFFFFFD0 ss:$0x1], $0xffff;
	(pc) =	sbr.rel @p0 .LBB2_7-.Ltmp1, $4  }
0x55: {  	v26 =	vadd.f32 v17, v26;
	v17 =	vmax.f32 v25, $0.0e+00;
	v24 =	vadd.f32 v29, v24;
	v16 =	vld.idx.msk [tilespmem:v8+s16+$0xFFFFFFC0 ss:$0x1], $0xffff;
	v21 =	vmovc v13  }
0x56: {  	v29 =	vsub.f32 v34, v11;
	v27 =	vsub.f32 v23, v11;
	v23 =	vmax.f32 v28, $0.0e+00;
	v22 =	vld.idx.msk [tilespmem:v8+s16+$0x20 ss:$0x1], $0xffff  }
0x57: {  	v34 =	vmax.f32 v19, $0.0e+00;
	v28 =	vsub.f32 v35, v11;
	v24 =	vadd.f32 v23, v24;
	v13 =	vld.idx.msk [tilespmem:v8+s16+$0x30 ss:$0x1], $0xffff  }
0x58: {  	v31 =	vmax.f32 v31, $0.0e+00;
	v30 =	vadd.f32 v34, v30;
	v19 =	vsub.f32 v32, v11;
	v25 =	vmovc v33;
	v23 =	vld.idx.msk [tilespmem:v8+s16+$0x0 ss:$0x1], $0xffff  }
0x59: {  	v21 =	vsub.f32 v21, v11  }
0x5a: {  	v14 =	vadd.f32 v31, v14;
	v29 =	vmax.f32 v29, $0.0e+00;
	v18 =	vsub.f32 v18, v11  }
0x5b: {  	v20 =	vadd.f32 v20, v26;
	v25 =	vsub.f32 v25, v11;
	v53 =	vmax.f32 v27, $0.0e+00  }
0x5c: {  	v15 =	vsub.f32 v15, v11;
	v56 =	vmax.f32 v28, $0.0e+00;
	v51 =	vadd.f32 v29, v30  }
0x5d: {  	v52 =	vld.idx.msk [tilespmem:v8+s16+$0x10 ss:$0x1], $0xffff;
	v16 =	vsub.f32 v16, v11;
	v19 =	vmax.f32 v19, $0.0e+00;
	v22 =	vsub.f32 v22, v11  }
0x5e: {  	v18 =	vmax.f32 v18, $0.0e+00;
	v12 =	vadd.f32 v12, v14;
	v17 =	vadd.f32 v17, v20  }
0x5f: {  	v54 =	vmax.f32 v21, $0.0e+00;
	v18 =	vadd.f32 v18, v24;
	v19 =	vadd.f32 v19, v51  }
0x60: {  	v57 =	vmax.f32 v25, $0.0e+00;
	v13 =	vsub.f32 v13, v11;
	v12 =	vadd.f32 v56, v12  }
0x61: {  	v15 =	vmax.f32 v15, $0.0e+00;
	v55 =	vsub.f32 v23, v11;
	v17 =	vadd.f32 v54, v17  }
0x62: {  	v22 =	vmax.f32 v22, $0.0e+00;
	v58 =	vsub.f32 v52, v11;
	v12 =	vadd.f32 v53, v12  }
0x63: {  	v60 =	vmax.f32 v16, $0.0e+00;
	v18 =	vadd.f32 v22, v18;
	v59 =	vadd.f32 v15, v19  }
0x64: {  	v61 =	vadd.f32 v57, v17;
	v62 =	vmax.f32 v58, $0.0e+00;
	v12 =	vadd.f32 v60, v12  }
0x65: {  	v13 =	vmax.f32 v13, $0.0e+00;
	v63 =	vmax.f32 v55, $0.0e+00;
	v14 =	vadd.f32 v62, v59  }
0x66: {  	v13 =	vadd.f32 v13, v61;
	v12 =	vadd.f32 v63, v12;
	_ =	sdelay $0x1  }
0x67: {  	v13 =	vadd.f32 v13, v18;
	v12 =	vadd.f32 v14, v12;
	_ =	sdelay $0x1  }
0x68: {  	v12 =	vadd.f32 v13, v12;
	_ =	sdelay $0x1  }
0x69: {  	v13 =	vperm.xlane v12, v0;
	_ =	sdelay $0x1  }
0x6a: {  	v12 =	vadd.f32 v13, v12;
	_ =	sdelay $0x1  }
0x6b: {  	v13 =	vperm.xlane v12, v1;
	_ =	sdelay $0x1  }
0x6c: {  	v12 =	vadd.f32 v13, v12;
	_ =	sdelay $0x1  }
0x6d: {  	v13 =	vperm.xlane v12, v2;
	_ =	sdelay $0x1  }
0x6e: {  	v12 =	vadd.f32 v13, v12  }
0x6f: {  	s15 =	sadd.s32 $0x1, s15  }
0x70: {  	p0 =	sne.s32 s15, $0x6;
	v13 =	vperm.xlane v12, v3  }
.Ltmp2:
0x71: {  	_ = 	snop;
	(pc) =	sbr.rel @p0 .LBB2_6-.Ltmp2, $3  }
0x72: {  	v12 =	vadd.f32 v13, v12;
	_ =	sdelay $0x1  }
0x73: {  	vm0 =	vgt.f32 v12, $1.000000000e+00  }
0x74: {  	v10 =	vsel vm0, v11, v10;
	v9 =	vsel vm0, v9, v11  }
0x75: {  	_ =	sdelay $0x2  }
0x76: {  	s15 =	simm.s32 $0x0  }
0x77: {  	v11 =	vld.idx.msk [tilespmem:v8+s15+$0x20 ss:$0x1], $0xffff  }
0x78: {  	v18 =	vld.idx.msk [tilespmem:v8+s15+$0x30 ss:$0x1], $0xffff  }
0x79: {  	v12 =	vld.idx.msk [tilespmem:v8+s15+$0x0 ss:$0x1], $0xffff  }
0x7a: {  	v14 =	vld.idx.msk [tilespmem:v8+s15+$0x10 ss:$0x1], $0xffff  }
0x7b: {  	v13 =	vld.idx.msk [tilespmem:v8+s15+$0xFFFFFFE0 ss:$0x1], $0xffff  }
0x7c: {  	v15 =	vld.idx.msk [tilespmem:v8+s15+$0xFFFFFFF0 ss:$0x1], $0xffff  }
0x7d: {  	v16 =	vld.idx.msk [tilespmem:v8+s15+$0xFFFFFFC0 ss:$0x1], $0xffff  }
0x7e: {  	v17 =	vld.idx.msk [tilespmem:v8+s15+$0xFFFFFFD0 ss:$0x1], $0xffff;
	_ =	sdelay $0x2  }
0x7f: {  	v19 =	vimm.f32 $0.0e+00;
	vm2 =	vgt.f32 v11, v10;
	vm0 =	vgt.f32 v18, v10  }
0x80: {  	vm3 =	vgt.f32 v13, v10;
	vm4 =	vgt.f32 v12, v10;
	vm1 =	vgt.f32 v14, v10  }
0x81: {  	vm5 =	vgt.f32 v16, v10;
	vm6 =	vgt.f32 v17, v10;
	vm7 =	vgt.f32 v15, v10  }
0x82: {  	s31 =	simm.s32 $0x80;
	v20 =	vnsel vm4, $0x0, v12;
	v24 =	vnsel vm2, $0x0, v11;
	v25 =	vsel vm2, $0x3F800000, v4  }
0x83: {  	v21 =	vnsel vm3, $0x0, v13;
	v22 =	vsel vm3, $0x3F800000, v4;
	v23 =	vsel vm4, $0x3F800000, v4;
	v11 =	vld.idx.msk [tilespmem:v8+s31+$0x20 ss:$0x1], $0xffff  }
0x84: {  	v13 =	vnsel vm5, $0x0, v16;
	v16 =	vsel vm5, $0x3F800000, v4;
	v17 =	vnsel vm6, $0x0, v17;
	v12 =	vld.idx.msk [tilespmem:v8+s31+$0x30 ss:$0x1], $0xffff  }
0x85: {  	v27 =	vsel vm6, $0x3F800000, v4;
	v26 =	vadd.f32 v13, v19;
	v16 =	vadd.f32 v16, v19;
	v13 =	vld.idx.msk [tilespmem:v8+s31+$0x0 ss:$0x1], $0xffff  }
0x86: {  	v17 =	vadd.f32 v17, v19;
	v19 =	vadd.f32 v27, v19;
	v27 =	vnsel vm7, $0x0, v15;
	v15 =	vld.idx.msk [tilespmem:v8+s31+$0x10 ss:$0x1], $0xffff  }
0x87: {  	v21 =	vadd.f32 v21, v26;
	v22 =	vadd.f32 v22, v16;
	v26 =	vsel vm7, $0x3F800000, v4;
	v16 =	vld.idx.msk [tilespmem:v8+s31+$0xFFFFFFE0 ss:$0x1], $0xffff  }
0x88: {  	v27 =	vadd.f32 v27, v17;
	v17 =	vld.idx.msk [tilespmem:v8+s31+$0xFFFFFFC0 ss:$0x1], $0xffff;
	v19 =	vadd.f32 v26, v19;
	v26 =	vnsel vm1, $0x0, v14  }
0x89: {  	v14 =	vld.idx.msk [tilespmem:v8+s31+$0xFFFFFFF0 ss:$0x1], $0xffff;
	v20 =	vadd.f32 v20, v21;
	v28 =	vadd.f32 v23, v22;
	v22 =	vsel vm1, $0x3F800000, v4  }
0x8a: {  	v21 =	vadd.f32 v26, v27;
	v23 =	vadd.f32 v22, v19;
	v22 =	vnsel vm0, $0x0, v18;
	v18 =	vld.idx.msk [tilespmem:v8+s31+$0xFFFFFFD0 ss:$0x1], $0xffff  }
0x8b: {  	s15 =	simm.s32 $0x400;
	v19 =	vadd.f32 v24, v20;
	v20 =	vadd.f32 v25, v28;
	v24 =	vsel vm0, $0x3F800000, v4  }
.LBB2_10:
0x8c: {  	p0 =	sne.s32 s15, $0x1E00;
	v21 =	vadd.f32 v22, v21;
	v22 =	vadd.f32 v24, v23  }
0x8d: {  	vm2 =	vgt.f32 v11, v10;
	vm0 =	vgt.f32 v12, v10  }
0x8e: {  	vm3 =	vgt.f32 v16, v10;
	vm4 =	vgt.f32 v13, v10;
	vm1 =	vgt.f32 v15, v10  }
0x8f: {  	s16 =	sshra.s32 s15, $0x2;
	vm7 =	vgt.f32 v14, v10;
	vm5 =	vgt.f32 v17, v10;
	vm6 =	vgt.f32 v18, v10  }
0x90: {  	v23 =	vnsel vm4, $0x0, v13;
	v24 =	vnsel vm2, $0x0, v11;
	v25 =	vsel vm2, $0x3F800000, v4;
	v11 =	vld.idx.msk [tilespmem:v8+s16+$0x20 ss:$0x1], $0xffff  }
0x91: {  	v27 =	vnsel vm3, $0x0, v16;
	v28 =	vsel vm3, $0x3F800000, v4;
	v29 =	vsel vm4, $0x3F800000, v4;
	v26 =	vld.idx.msk [tilespmem:v8+s16+$0x30 ss:$0x1], $0xffff  }
0x92: {  	v16 =	vnsel vm5, $0x0, v17;
	v17 =	vsel vm5, $0x3F800000, v4;
	v18 =	vnsel vm6, $0x0, v18;
	v13 =	vld.idx.msk [tilespmem:v8+s16+$0x0 ss:$0x1], $0xffff  }
0x93: {  	v19 =	vadd.f32 v16, v19;
	v17 =	vadd.f32 v17, v20;
	v20 =	vsel vm6, $0x3F800000, v4;
	v30 =	vld.idx.msk [tilespmem:v8+s16+$0x10 ss:$0x1], $0xffff  }
0x94: {  	v18 =	vadd.f32 v18, v21;
	v20 =	vadd.f32 v20, v22;
	v21 =	vnsel vm7, $0x0, v14;
	v16 =	vld.idx.msk [tilespmem:v8+s16+$0xFFFFFFE0 ss:$0x1], $0xffff  }
.Ltmp3:
0x95: {  	v19 =	vadd.f32 v27, v19;
	v22 =	vadd.f32 v28, v17;
	v27 =	vsel vm7, $0x3F800000, v4;
	v14 =	vld.idx.msk [tilespmem:v8+s16+$0xFFFFFFF0 ss:$0x1], $0xffff;
	(pc) =	sbr.rel @p0 .LBB2_10-.Ltmp3, $4  }
0x96: {  	v15 =	vnsel vm1, $0x0, v15;
	v21 =	vadd.f32 v21, v18;
	v20 =	vadd.f32 v27, v20;
	v17 =	vld.idx.msk [tilespmem:v8+s16+$0xFFFFFFC0 ss:$0x1], $0xffff  }
0x97: {  	v19 =	vadd.f32 v23, v19;
	v27 =	vadd.f32 v29, v22;
	v22 =	vsel vm1, $0x3F800000, v4;
	v18 =	vld.idx.msk [tilespmem:v8+s16+$0xFFFFFFD0 ss:$0x1], $0xffff  }
0x98: {  	v21 =	vadd.f32 v15, v21;
	v23 =	vadd.f32 v22, v20;
	v22 =	vnsel vm0, $0x0, v12;
	v12 =	vmovc v26  }
0x99: {  	s15 =	sadd.s32 $0x200, s15;
	v19 =	vadd.f32 v24, v19;
	v20 =	vadd.f32 v25, v27;
	v24 =	vsel vm0, $0x3F800000, v4;
	v15 =	vmovc v30  }
0x9a: {  	_ =	sdelay $0x1  }
0x9b: {  	v23 =	vadd.f32 v24, v23;
	vm0 =	vgt.f32 v17, v10;
	vm1 =	vgt.f32 v18, v10  }
0x9c: {  	vm2 =	vgt.f32 v16, v10;
	v24 =	vsel vm0, $0x3F800000, v4;
	v25 =	vsel vm1, $0x3F800000, v4  }
0x9d: {  	vm3 =	vgt.f32 v14, v10;
	v20 =	vadd.f32 v24, v20;
	v23 =	vadd.f32 v25, v23  }
0x9e: {  	vm4 =	vgt.f32 v13, v10;
	v24 =	vsel vm2, $0x3F800000, v4;
	v25 =	vsel vm3, $0x3F800000, v4  }
0x9f: {  	vm5 =	vgt.f32 v15, v10;
	v20 =	vadd.f32 v24, v20;
	v23 =	vadd.f32 v25, v23  }
0xa0: {  	vm6 =	vgt.f32 v11, v10;
	v24 =	vsel vm4, $0x3F800000, v4;
	v25 =	vsel vm5, $0x3F800000, v4  }
0xa1: {  	vm7 =	vgt.f32 v12, v10;
	v20 =	vadd.f32 v24, v20;
	v23 =	vadd.f32 v25, v23  }
0xa2: {  	v21 =	vadd.f32 v22, v21;
	v22 =	vsel vm6, $0x3F800000, v4;
	v24 =	vsel vm7, $0x3F800000, v4  }
0xa3: {  	v17 =	vnsel vm0, $0x0, v17;
	v20 =	vadd.f32 v22, v20;
	v22 =	vadd.f32 v24, v23  }
0xa4: {  	v18 =	vnsel vm1, $0x0, v18;
	v17 =	vadd.f32 v17, v19  }
0xa5: {  	v16 =	vnsel vm2, $0x0, v16;
	v18 =	vadd.f32 v18, v21;
	v19 =	vadd.f32 v22, v20  }
0xa6: {  	v14 =	vnsel vm3, $0x0, v14;
	v16 =	vadd.f32 v16, v17  }
0xa7: {  	v13 =	vnsel vm4, $0x0, v13;
	v14 =	vadd.f32 v14, v18;
	v17 =	vperm.xlane v19, v5  }
0xa8: {  	v15 =	vnsel vm5, $0x0, v15;
	v13 =	vadd.f32 v13, v16  }
0xa9: {  	v14 =	vadd.f32 v15, v14;
	v15 =	vadd.f32 v17, v19  }
0xaa: {  	v11 =	vnsel vm6, $0x0, v11;
	v12 =	vnsel vm7, $0x0, v12  }
0xab: {  	v11 =	vadd.f32 v11, v13;
	v12 =	vadd.f32 v12, v14;
	v13 =	vperm.xlane v15, v6;
	_ =	sdelay $0x1  }
0xac: {  	v11 =	vadd.f32 v12, v11;
	v12 =	vadd.f32 v13, v15;
	_ =	sdelay $0x1  }
0xad: {  	v13 =	vperm.xlane v11, v5;
	v14 =	vperm.xlane v12, v7;
	_ =	sdelay $0x1  }
0xae: {  	v11 =	vadd.f32 v13, v11;
	v12 =	vadd.f32 v14, v12;
	_ =	sdelay $0x1  }
0xaf: {  	v13 =	vperm.xlane v11, v6;
	v14 =	vperm.xlane v12, v3;
	_ =	sdelay $0x1  }
0xb0: {  	v11 =	vadd.f32 v13, v11;
	v12 =	vadd.f32 v14, v12;
	_ =	sdelay $0x1  }
0xb1: {  	v13 =	vperm.xlane v11, v7;
	(erf) = vrcp.f32 v12;
	_ =	sdelay $0x1  }
0xb2: {  	v11 =	vadd.f32 v13, v11  }
0xb3: {  	s15 =	simm.s32 $0x0  }
0xb4: {  	v18 =	vld.idx.msk [tilespmem:v8+s15+$0x30 ss:$0x1], $0xffff;
	v12 =	vperm.xlane v11, v3  }
0xb5: {  	v17 =	vld.idx.msk [tilespmem:v8+s15+$0xFFFFFFF0 ss:$0x1], $0xffff  }
0xb6: {  	v19 =	vld.idx.msk [tilespmem:v8+s15+$0xFFFFFFD0 ss:$0x1], $0xffff;
	v11 =	vadd.f32 v12, v11  }
0xb7: {  	v15 =	vld.idx.msk [tilespmem:v8+s15+$0xFFFFFFE0 ss:$0x1], $0xffff  }
0xb8: {  	v14 =	vld.idx.msk [tilespmem:v8+s15+$0x10 ss:$0x1], $0xffff;
	v11 =	vadd.f32 $-1.000000000e+00, v11  }
0xb9: {  	v13 =	vld.idx.msk [tilespmem:v8+s15+$0x20 ss:$0x1], $0xffff;
	v16 =	vpop (erf)  }
0xba: {  	v12 =	vld.idx.msk [tilespmem:v8+s15+$0x0 ss:$0x1], $0xffff;
	v11 =	vmul.f32 v16, v11  }
0xbb: {  	v16 =	vld.idx.msk [tilespmem:v8+s15+$0xFFFFFFC0 ss:$0x1], $0xffff  }
0xbc: {  	v10 =	vmax.f32 v10, v11  }
0xbd: {  	v10 =	vmin.f32 v9, v10  }
0xbe: {  	v20 =	vimm.f32 $0.0e+00;
	vm2 =	vgt.f32 v13, v10;
	vm9 =	vgt.f32 v18, v10  }
0xbf: {  	vm10 =	vgt.f32 v15, v10;
	vm11 =	vgt.f32 v12, v10;
	vm12 =	vgt.f32 v14, v10  }
0xc0: {  	vm14 =	vgt.f32 v19, v10;
	vm15 =	vgt.f32 v17, v10;
	vm13 =	vgt.f32 v16, v10  }
0xc1: {  	s31 =	simm.s32 $0x80;
	v21 =	vnsel vm11, $0x0, v12;
	v24 =	vnsel vm2, $0x0, v13;
	v25 =	vsel vm2, $0x3F800000, v4  }
0xc2: {  	v11 =	vld.idx.msk [tilespmem:v8+s31+$0x20 ss:$0x1], $0xffff;
	v22 =	vnsel vm10, $0x0, v15;
	v23 =	vsel vm10, $0x3F800000, v4;
	v26 =	vsel vm11, $0x3F800000, v4  }
0xc3: {  	v12 =	vld.idx.msk [tilespmem:v8+s31+$0x30 ss:$0x1], $0xffff;
	v13 =	vnsel vm13, $0x0, v16;
	v15 =	vsel vm13, $0x3F800000, v4;
	v16 =	vnsel vm14, $0x0, v19  }
0xc4: {  	v19 =	vadd.f32 v13, v20;
	v27 =	vadd.f32 v15, v20;
	v15 =	vsel vm14, $0x3F800000, v4;
	v13 =	vld.idx.msk [tilespmem:v8+s31+$0x0 ss:$0x1], $0xffff  }
0xc5: {  	v17 =	vnsel vm15, $0x0, v17;
	v28 =	vadd.f32 v16, v20;
	v16 =	vld.idx.msk [tilespmem:v8+s31+$0xFFFFFFE0 ss:$0x1], $0xffff;
	v20 =	vadd.f32 v15, v20  }
0xc6: {  	v15 =	vld.idx.msk [tilespmem:v8+s31+$0x10 ss:$0x1], $0xffff;
	v19 =	vadd.f32 v22, v19;
	v22 =	vadd.f32 v23, v27;
	v23 =	vsel vm15, $0x3F800000, v4  }
0xc7: {  	v27 =	vadd.f32 v17, v28;
	v17 =	vld.idx.msk [tilespmem:v8+s31+$0xFFFFFFC0 ss:$0x1], $0xffff;
	v20 =	vadd.f32 v23, v20;
	v23 =	vnsel vm12, $0x0, v14  }
0xc8: {  	v14 =	vld.idx.msk [tilespmem:v8+s31+$0xFFFFFFF0 ss:$0x1], $0xffff;
	v19 =	vadd.f32 v21, v19;
	v26 =	vadd.f32 v26, v22;
	v22 =	vsel vm12, $0x3F800000, v4  }
0xc9: {  	v21 =	vadd.f32 v23, v27;
	v23 =	vadd.f32 v22, v20;
	v22 =	vnsel vm9, $0x0, v18;
	v18 =	vld.idx.msk [tilespmem:v8+s31+$0xFFFFFFD0 ss:$0x1], $0xffff  }
0xca: {  	s15 =	simm.s32 $0x400;
	v19 =	vadd.f32 v24, v19;
	v20 =	vadd.f32 v25, v26;
	v24 =	vsel vm9, $0x3F800000, v4  }
.LBB2_12:
0xcb: {  	p0 =	sne.s32 s15, $0x1E00;
	v21 =	vadd.f32 v22, v21;
	v22 =	vadd.f32 v24, v23  }
0xcc: {  	vm2 =	vgt.f32 v11, v10;
	vm0 =	vgt.f32 v12, v10  }
0xcd: {  	vm3 =	vgt.f32 v16, v10;
	vm4 =	vgt.f32 v13, v10;
	vm1 =	vgt.f32 v15, v10  }
0xce: {  	s16 =	sshra.s32 s15, $0x2;
	vm7 =	vgt.f32 v14, v10;
	vm5 =	vgt.f32 v17, v10;
	vm6 =	vgt.f32 v18, v10  }
0xcf: {  	v23 =	vnsel vm4, $0x0, v13;
	v24 =	vnsel vm2, $0x0, v11;
	v25 =	vsel vm2, $0x3F800000, v4;
	v11 =	vld.idx.msk [tilespmem:v8+s16+$0x20 ss:$0x1], $0xffff  }
0xd0: {  	v27 =	vnsel vm3, $0x0, v16;
	v28 =	vsel vm3, $0x3F800000, v4;
	v29 =	vsel vm4, $0x3F800000, v4;
	v26 =	vld.idx.msk [tilespmem:v8+s16+$0x30 ss:$0x1], $0xffff  }
0xd1: {  	v16 =	vnsel vm5, $0x0, v17;
	v17 =	vsel vm5, $0x3F800000, v4;
	v18 =	vnsel vm6, $0x0, v18;
	v13 =	vld.idx.msk [tilespmem:v8+s16+$0x0 ss:$0x1], $0xffff  }
0xd2: {  	v19 =	vadd.f32 v16, v19;
	v17 =	vadd.f32 v17, v20;
	v20 =	vsel vm6, $0x3F800000, v4;
	v30 =	vld.idx.msk [tilespmem:v8+s16+$0x10 ss:$0x1], $0xffff  }
0xd3: {  	v18 =	vadd.f32 v18, v21;
	v20 =	vadd.f32 v20, v22;
	v21 =	vnsel vm7, $0x0, v14;
	v16 =	vld.idx.msk [tilespmem:v8+s16+$0xFFFFFFE0 ss:$0x1], $0xffff  }
.Ltmp4:
0xd4: {  	v19 =	vadd.f32 v27, v19;
	v22 =	vadd.f32 v28, v17;
	v27 =	vsel vm7, $0x3F800000, v4;
	v14 =	vld.idx.msk [tilespmem:v8+s16+$0xFFFFFFF0 ss:$0x1], $0xffff;
	(pc) =	sbr.rel @p0 .LBB2_12-.Ltmp4, $4  }
0xd5: {  	v15 =	vnsel vm1, $0x0, v15;
	v21 =	vadd.f32 v21, v18;
	v20 =	vadd.f32 v27, v20;
	v17 =	vld.idx.msk [tilespmem:v8+s16+$0xFFFFFFC0 ss:$0x1], $0xffff  }
0xd6: {  	v19 =	vadd.f32 v23, v19;
	v27 =	vadd.f32 v29, v22;
	v22 =	vsel vm1, $0x3F800000, v4;
	v18 =	vld.idx.msk [tilespmem:v8+s16+$0xFFFFFFD0 ss:$0x1], $0xffff  }
0xd7: {  	v21 =	vadd.f32 v15, v21;
	v23 =	vadd.f32 v22, v20;
	v22 =	vnsel vm0, $0x0, v12;
	v12 =	vmovc v26  }
0xd8: {  	s15 =	sadd.s32 $0x200, s15;
	v19 =	vadd.f32 v24, v19;
	v20 =	vadd.f32 v25, v27;
	v24 =	vsel vm0, $0x3F800000, v4;
	v15 =	vmovc v30  }
0xd9: {  	_ =	sdelay $0x1  }
0xda: {  	v23 =	vadd.f32 v24, v23;
	vm0 =	vgt.f32 v17, v10;
	vm1 =	vgt.f32 v18, v10  }
0xdb: {  	vm2 =	vgt.f32 v16, v10;
	v46 =	vsel vm0, $0x3F800000, v4;
	v25 =	vsel vm1, $0x3F800000, v4  }
0xdc: {  	vm3 =	vgt.f32 v14, v10;
	v20 =	vadd.f32 v46, v20;
	v23 =	vadd.f32 v25, v23  }
0xdd: {  	vm4 =	vgt.f32 v13, v10;
	v47 =	vsel vm2, $0x3F800000, v4;
	v48 =	vsel vm3, $0x3F800000, v4  }
0xde: {  	vm5 =	vgt.f32 v15, v10;
	v20 =	vadd.f32 v47, v20;
	v23 =	vadd.f32 v48, v23  }
0xdf: {  	vm6 =	vgt.f32 v11, v10;
	v49 =	vsel vm4, $0x3F800000, v4;
	v50 =	vsel vm5, $0x3F800000, v4  }
0xe0: {  	vm7 =	vgt.f32 v12, v10;
	v20 =	vadd.f32 v49, v20;
	v23 =	vadd.f32 v50, v23  }
0xe1: {  	v21 =	vadd.f32 v22, v21;
	v51 =	vsel vm6, $0x3F800000, v4;
	v52 =	vsel vm7, $0x3F800000, v4  }
0xe2: {  	v17 =	vnsel vm0, $0x0, v17;
	v20 =	vadd.f32 v51, v20;
	v53 =	vadd.f32 v52, v23  }
0xe3: {  	v18 =	vnsel vm1, $0x0, v18;
	v17 =	vadd.f32 v17, v19  }
0xe4: {  	v16 =	vnsel vm2, $0x0, v16;
	v18 =	vadd.f32 v18, v21;
	v54 =	vadd.f32 v53, v20  }
0xe5: {  	v14 =	vnsel vm3, $0x0, v14;
	v16 =	vadd.f32 v16, v17  }
0xe6: {  	v13 =	vnsel vm4, $0x0, v13;
	v14 =	vadd.f32 v14, v18;
	v55 =	vperm.xlane v54, v5  }
0xe7: {  	v15 =	vnsel vm5, $0x0, v15;
	v13 =	vadd.f32 v13, v16  }
0xe8: {  	v14 =	vadd.f32 v15, v14;
	v56 =	vadd.f32 v55, v54  }
0xe9: {  	v11 =	vnsel vm6, $0x0, v11;
	v12 =	vnsel vm7, $0x0, v12  }
0xea: {  	v11 =	vadd.f32 v11, v13;
	v12 =	vadd.f32 v12, v14;
	v57 =	vperm.xlane v56, v6;
	_ =	sdelay $0x1  }
0xeb: {  	v11 =	vadd.f32 v12, v11;
	v58 =	vadd.f32 v57, v56;
	_ =	sdelay $0x1  }
0xec: {  	v59 =	vperm.xlane v11, v5;
	v60 =	vperm.xlane v58, v7;
	_ =	sdelay $0x1  }
0xed: {  	v11 =	vadd.f32 v59, v11;
	v12 =	vadd.f32 v60, v58;
	_ =	sdelay $0x1  }
0xee: {  	v13 =	vperm.xlane v11, v6;
	v14 =	vperm.xlane v12, v3;
	_ =	sdelay $0x1  }
0xef: {  	v11 =	vadd.f32 v13, v11;
	v12 =	vadd.f32 v14, v12;
	_ =	sdelay $0x1  }
0xf0: {  	v13 =	vperm.xlane v11, v7;
	(erf) = vrcp.f32 v12;
	_ =	sdelay $0x1  }
0xf1: {  	v11 =	vadd.f32 v13, v11;
	_ =	sdelay $0x1  }
0xf2: {  	v61 =	vperm.xlane v11, v3;
	_ =	sdelay $0x1  }
0xf3: {  	v11 =	vadd.f32 v61, v11;
	_ =	sdelay $0x1  }
0xf4: {  	s15 =	simm.s32 $0x0;
	v11 =	vadd.f32 $-1.000000000e+00, v11  }
0xf5: {  	v63 =	vld.idx.msk [tilespmem:v8+s15+$0xFFFFFFC0 ss:$0x1], $0xffff;
	v62 =	vpop (erf)  }
0xf6: {  	v11 =	vmul.f32 v62, v11;
	_ =	sdelay $0x1  }
0xf7: {  	v11 =	vmax.f32 v10, v11;
	v10 =	vmov s14  }
0xf8: {  	v9 =	vmin.f32 v9, v11  }
0xf9: {  	v11 =	vsub.f32 v63, v9;
	_ =	sdelay $0x1  }
0xfa: {  	v11 =	vmax.f32 v11, $0.0e+00  }
0xfb: {  	[tilespmem:v10+s15+$0xFFFFFF90 ss:$0x1] =	vst.idx.msk $0xffff, v11  }
0xfc: {  	v11 =	vld.idx.msk [tilespmem:v8+s15+$0xFFFFFFD0 ss:$0x1], $0xffff;
	_ =	sdelay $0x4  }
0xfd: {  	v11 =	vsub.f32 v11, v9;
	_ =	sdelay $0x1  }
0xfe: {  	v11 =	vmax.f32 v11, $0.0e+00  }
0xff: {  	[tilespmem:v10+s15+$0xFFFFFFA0 ss:$0x1] =	vst.idx.msk $0xffff, v11  }
0x100: {  	v11 =	vld.idx.msk [tilespmem:v8+s15+$0xFFFFFFE0 ss:$0x1], $0xffff;
	_ =	sdelay $0x4  }
0x101: {  	v11 =	vsub.f32 v11, v9;
	_ =	sdelay $0x1  }
0x102: {  	v11 =	vmax.f32 v11, $0.0e+00  }
0x103: {  	[tilespmem:v10+s15+$0xFFFFFFB0 ss:$0x1] =	vst.idx.msk $0xffff, v11  }
0x104: {  	v11 =	vld.idx.msk [tilespmem:v8+s15+$0xFFFFFFF0 ss:$0x1], $0xffff;
	_ =	sdelay $0x4  }
0x105: {  	v11 =	vsub.f32 v11, v9;
	_ =	sdelay $0x1  }
0x106: {  	v11 =	vmax.f32 v11, $0.0e+00  }
0x107: {  	[tilespmem:v10+s15+$0xFFFFFFC0 ss:$0x1] =	vst.idx.msk $0xffff, v11  }
0x108: {  	v11 =	vld.idx.msk [tilespmem:v8+s15+$0x0 ss:$0x1], $0xffff;
	_ =	sdelay $0x4  }
0x109: {  	v11 =	vsub.f32 v11, v9;
	_ =	sdelay $0x1  }
0x10a: {  	v11 =	vmax.f32 v11, $0.0e+00  }
0x10b: {  	[tilespmem:v10+s15+$0xFFFFFFD0 ss:$0x1] =	vst.idx.msk $0xffff, v11  }
0x10c: {  	v11 =	vld.idx.msk [tilespmem:v8+s15+$0x10 ss:$0x1], $0xffff;
	_ =	sdelay $0x4  }
0x10d: {  	v11 =	vsub.f32 v11, v9;
	_ =	sdelay $0x1  }
0x10e: {  	v11 =	vmax.f32 v11, $0.0e+00  }
0x10f: {  	[tilespmem:v10+s15+$0xFFFFFFE0 ss:$0x1] =	vst.idx.msk $0xffff, v11  }
0x110: {  	v11 =	vld.idx.msk [tilespmem:v8+s15+$0x20 ss:$0x1], $0xffff;
	_ =	sdelay $0x4  }
0x111: {  	v11 =	vsub.f32 v11, v9;
	_ =	sdelay $0x1  }
0x112: {  	v11 =	vmax.f32 v11, $0.0e+00  }
0x113: {  	[tilespmem:v10+s15+$0xFFFFFFF0 ss:$0x1] =	vst.idx.msk $0xffff, v11  }
0x114: {  	v11 =	vld.idx.msk [tilespmem:v8+s15+$0x30 ss:$0x1], $0xffff;
	_ =	sdelay $0x4  }
0x115: {  	v11 =	vsub.f32 v11, v9;
	_ =	sdelay $0x1  }
0x116: {  	s16 =	simm.s32 $0x200;
	s17 =	simm.s32 $0x400;
	v11 =	vmax.f32 v11, $0.0e+00  }
.LBB2_14:
0x117: {  	p0 =	sne.s32 s17, $0x1E00  }
0x118: {  	[tilespmem:v10+s15+$0x0 ss:$0x1] =	vst.idx.msk $0xffff, v11;
	s15 =	sshra.s32 s16, $0x2;
	s16 =	smov.u32 s17;
	s17 =	sadd.s32 $0x200, s17  }
0x119: {  	v11 =	vld.idx.msk [tilespmem:v8+s15+$0xFFFFFFC0 ss:$0x1], $0xffff;
	_ =	sdelay $0x5  }
0x11a: {  	v11 =	vsub.f32 v11, v9;
	_ =	sdelay $0x1  }
0x11b: {  	v11 =	vmax.f32 v11, $0.0e+00  }
0x11c: {  	[tilespmem:v10+s15+$0xFFFFFF90 ss:$0x1] =	vst.idx.msk $0xffff, v11  }
0x11d: {  	v11 =	vld.idx.msk [tilespmem:v8+s15+$0xFFFFFFD0 ss:$0x1], $0xffff;
	_ =	sdelay $0x5  }
0x11e: {  	v11 =	vsub.f32 v11, v9;
	_ =	sdelay $0x1  }
0x11f: {  	v11 =	vmax.f32 v11, $0.0e+00  }
0x120: {  	[tilespmem:v10+s15+$0xFFFFFFA0 ss:$0x1] =	vst.idx.msk $0xffff, v11  }
0x121: {  	v11 =	vld.idx.msk [tilespmem:v8+s15+$0xFFFFFFE0 ss:$0x1], $0xffff;
	_ =	sdelay $0x5  }
0x122: {  	v11 =	vsub.f32 v11, v9;
	_ =	sdelay $0x1  }
0x123: {  	v11 =	vmax.f32 v11, $0.0e+00  }
0x124: {  	[tilespmem:v10+s15+$0xFFFFFFB0 ss:$0x1] =	vst.idx.msk $0xffff, v11  }
0x125: {  	v11 =	vld.idx.msk [tilespmem:v8+s15+$0xFFFFFFF0 ss:$0x1], $0xffff;
	_ =	sdelay $0x5  }
0x126: {  	v11 =	vsub.f32 v11, v9;
	_ =	sdelay $0x1  }
0x127: {  	v11 =	vmax.f32 v11, $0.0e+00  }
0x128: {  	[tilespmem:v10+s15+$0xFFFFFFC0 ss:$0x1] =	vst.idx.msk $0xffff, v11  }
0x129: {  	v11 =	vld.idx.msk [tilespmem:v8+s15+$0x0 ss:$0x1], $0xffff;
	_ =	sdelay $0x5  }
0x12a: {  	v11 =	vsub.f32 v11, v9;
	_ =	sdelay $0x1  }
0x12b: {  	v11 =	vmax.f32 v11, $0.0e+00  }
0x12c: {  	[tilespmem:v10+s15+$0xFFFFFFD0 ss:$0x1] =	vst.idx.msk $0xffff, v11  }
0x12d: {  	v11 =	vld.idx.msk [tilespmem:v8+s15+$0x10 ss:$0x1], $0xffff;
	_ =	sdelay $0x5  }
0x12e: {  	v11 =	vsub.f32 v11, v9;
	_ =	sdelay $0x1  }
0x12f: {  	v11 =	vmax.f32 v11, $0.0e+00  }
0x130: {  	[tilespmem:v10+s15+$0xFFFFFFE0 ss:$0x1] =	vst.idx.msk $0xffff, v11  }
0x131: {  	v11 =	vld.idx.msk [tilespmem:v8+s15+$0x20 ss:$0x1], $0xffff;
	_ =	sdelay $0x5  }
0x132: {  	v11 =	vsub.f32 v11, v9;
	_ =	sdelay $0x1  }
0x133: {  	v11 =	vmax.f32 v11, $0.0e+00  }
0x134: {  	[tilespmem:v10+s15+$0xFFFFFFF0 ss:$0x1] =	vst.idx.msk $0xffff, v11  }
0x135: {  	v11 =	vld.idx.msk [tilespmem:v8+s15+$0x30 ss:$0x1], $0xffff;
	_ =	sdelay $0x3  }
.Ltmp5:
0x136: {  	(pc) =	sbr.rel @p0 .LBB2_14-.Ltmp5, $3  }
0x137: {  	_ = 	snop  }
0x138: {  	v11 =	vsub.f32 v11, v9;
	_ =	sdelay $0x1  }
0x139: {  	v11 =	vmax.f32 v11, $0.0e+00  }
0x13a: {  	_ =	sdelay $0x3  }
0x13b: {  	s16 =	sshra.s32 s16, $0x2;
	[tilespmem:v10+s15+$0x0 ss:$0x1] =	vst.idx.msk $0xffff, v11  }
0x13c: {  	v11 =	vld.idx.msk [tilespmem:v8+s16+$0xFFFFFFC0 ss:$0x1], $0xffff;
	_ =	sdelay $0x4  }
0x13d: {  	v11 =	vsub.f32 v11, v9;
	_ =	sdelay $0x1  }
0x13e: {  	v11 =	vmax.f32 v11, $0.0e+00  }
0x13f: {  	[tilespmem:v10+s16+$0xFFFFFF90 ss:$0x1] =	vst.idx.msk $0xffff, v11  }
0x140: {  	v11 =	vld.idx.msk [tilespmem:v8+s16+$0xFFFFFFD0 ss:$0x1], $0xffff;
	_ =	sdelay $0x4  }
0x141: {  	v11 =	vsub.f32 v11, v9;
	_ =	sdelay $0x1  }
0x142: {  	v11 =	vmax.f32 v11, $0.0e+00  }
0x143: {  	[tilespmem:v10+s16+$0xFFFFFFA0 ss:$0x1] =	vst.idx.msk $0xffff, v11  }
0x144: {  	v11 =	vld.idx.msk [tilespmem:v8+s16+$0xFFFFFFE0 ss:$0x1], $0xffff;
	_ =	sdelay $0x4  }
0x145: {  	v11 =	vsub.f32 v11, v9;
	_ =	sdelay $0x1  }
0x146: {  	v11 =	vmax.f32 v11, $0.0e+00  }
0x147: {  	[tilespmem:v10+s16+$0xFFFFFFB0 ss:$0x1] =	vst.idx.msk $0xffff, v11  }
0x148: {  	v11 =	vld.idx.msk [tilespmem:v8+s16+$0xFFFFFFF0 ss:$0x1], $0xffff;
	_ =	sdelay $0x4  }
0x149: {  	v11 =	vsub.f32 v11, v9;
	_ =	sdelay $0x1  }
0x14a: {  	v11 =	vmax.f32 v11, $0.0e+00  }
0x14b: {  	[tilespmem:v10+s16+$0xFFFFFFC0 ss:$0x1] =	vst.idx.msk $0xffff, v11  }
0x14c: {  	v11 =	vld.idx.msk [tilespmem:v8+s16+$0x0 ss:$0x1], $0xffff;
	_ =	sdelay $0x4  }
0x14d: {  	v11 =	vsub.f32 v11, v9;
	_ =	sdelay $0x1  }
0x14e: {  	v11 =	vmax.f32 v11, $0.0e+00  }
0x14f: {  	[tilespmem:v10+s16+$0xFFFFFFD0 ss:$0x1] =	vst.idx.msk $0xffff, v11  }
0x150: {  	v11 =	vld.idx.msk [tilespmem:v8+s16+$0x10 ss:$0x1], $0xffff;
	_ =	sdelay $0x4  }
0x151: {  	v11 =	vsub.f32 v11, v9;
	_ =	sdelay $0x1  }
0x152: {  	v11 =	vmax.f32 v11, $0.0e+00  }
0x153: {  	[tilespmem:v10+s16+$0xFFFFFFE0 ss:$0x1] =	vst.idx.msk $0xffff, v11  }
0x154: {  	v11 =	vld.idx.msk [tilespmem:v8+s16+$0x20 ss:$0x1], $0xffff;
	_ =	sdelay $0x4  }
0x155: {  	v11 =	vsub.f32 v11, v9;
	_ =	sdelay $0x1  }
0x156: {  	v11 =	vmax.f32 v11, $0.0e+00  }
0x157: {  	[tilespmem:v10+s16+$0xFFFFFFF0 ss:$0x1] =	vst.idx.msk $0xffff, v11  }
0x158: {  	v8 =	vld.idx.msk [tilespmem:v8+s16+$0x30 ss:$0x1], $0xffff;
	_ =	sdelay $0x1  }
0x159: {  	s12 =	sadd.s32 $0x1, s12  }
0x15a: {  	p0 =	sne.s32 s12, $0x10  }
.Ltmp6:
0x15b: {  	_ = 	snop;
	(pc) =	sbr.rel @p0 .LBB2_3-.Ltmp6, $3  }
0x15c: {  	v8 =	vsub.f32 v8, v9;
	_ =	sdelay $0x1  }
0x15d: {  	v8 =	vmax.f32 v8, $0.0e+00  }
0x15e: {  	s13 =	sadd.s32 $0x800, s13;
	s14 =	sadd.s32 $0x800, s14;
	[tilespmem:v10+s16+$0x0 ss:$0x1] =	vst.idx.msk $0xffff, v8  }
0x15f: {  	s10 =	sadd.s32 $0x1, s10  }
0x160: {  	p0 =	sne.s32 s10, $0x10  }
.Ltmp7:
0x161: {  	s11 =	sadd.s32 s4, s11;
	(pc) =	sbr.rel @p0 .LBB2_2-.Ltmp7, $4  }
0x162: {  	[hbm4b:s11+s2] =	stream.linear.scatter [tilespmem:s8], [sflag:$0x1], $0x8000, $0x38;
	[tilespmem:$0x10000] =	vst v63  }
0x163: {  	_ =	swait.ge [sflag:s7], $0x8000  }
0x164: {  	[sflag:s7] =	ssyncset.done $0x0  }
0x165: {  	[sflag:s7] =	ssyncadd.s32 $0xFFFF8000  }
0x166: {  	s9 =	sadd.s32 $0x1, s9  }
0x167: {  	p0 =	sne.s32 s9, s6  }
.Ltmp8:
0x168: {  	_ = 	snop;
	(pc) =	sbr.rel @p0 .LBB2_1-.Ltmp8, $1  }
0x169: {  	_ =	sdelay $0x3  }
0x16a: {  	_ =	sfence.sel $0x180000  }
0x16b: {  	[bflag:$0x0] =	sbarrier.arrive $0xFFFF  }
0x16c: {  	p0 =	sne.s32 s3, $0x0;
	_ =	strace $0x9000004A  }
0x16d: {  	s0 =	sadd.s32 @!p0 $0x100000, s1;
	[bflag:$0x2] =	sbarrier.arrive $0xFFFF  }
0x16e: {  	[sflag:s0] =	ssyncadd.tile.s32 @!p0 $0x1;
	_ =	shalt  }
.Lfunc_end2:
_tile_overlayer_lowered:
.L_overlay_start_2:
0x16f: {  	(tag) =	ssettag $0x2  }
0x170: {  	s0 =	rddreg [dreg:$0x0];
	s2 =	stileid.u32  }
0x171: {  	s1 =	rddreg [dreg:$0x1];
	p0 =	sne.s32 s2, $0x0  }
0x172: {  	s3 =	rddreg [dreg:$0x2];
	[bflag:$0x3] =	sbarrier.arrive $0xFFFF;
	s2 =	simm.s32 @!p0 $0x1C01  }
0x173: {  	[timem:s3], [sflag:s2] =	dma.local @!p0 [hbm:s0], s1  }
0x174: {  	s0 =	simm.s32 @!p0 $0x1  }
0x175: {  	_ =	swait.ge @!p0 [sflag:s0], s1  }
0x176: {  	s1 =	ssub.s32 @!p0 $0x0, s1;
	[sflag:s0] =	ssyncset.done @!p0 $0x0  }
0x177: {  	[sflag:s0] =	ssyncadd.s32 @!p0 s1  }
0x178: {  	[bflag:$0x3] =	sbarrier.arrive $0xFFFF  }
0x179: {  	_ =	shalt  }

// kernel: sparse-core-data-format-call.cloned.1.call-start
scs
called_computation_lowered:
.L_overlay_start_0:
0x0: {  	s2 =	sld [smem:$0x3FD9]  }
0x1: {  	s3 =	sld [smem:$0x3FFE];
	_ =	sdelay $0x1  }
0x2: {  	s1 =	srdreg.scid  }
0x3: {  	s0 =	sand.u32 $0x1, s1  }
0x4: {  	s19 =	sshll.u32 s0, $0xA;
	s2 =	sadd.s32 s3, s2  }
0x5: {  	s2 =	sadd.s32 s2, s19  }
0x6: {  	[smem:$0x3FC7] =	sst s2  }
0x7: {  	_ = 	snop  }
0x8: {  	s2 =	sld [smem:$0x3FC9]  }
0x9: {  	s20 =	sld [smem:$0x3FD0];
	(tm) =	ssettm $0x1  }
0xa: {  	s4 =	sld [smem:$0x3FFB];
	_ =	sdelay $0x3  }
0xb: {  	_ =	strace s4  }
0xc: {  	s4 =	sld [smem:$0x3FFC];
	_ =	sdelay $0x3  }
0xd: {  	_ =	strace s4  }
0xe: {  	s4 =	sld [smem:$0x3FFD];
	_ =	sdelay $0x3  }
0xf: {  	_ =	strace s4  }
0x10: {  	_ =	strace $0x8FFFFFFF  }
0x11: {  	s21 =	sld [smem:$0x3FDB];
	_ =	sdelay $0x1  }
0x12: {  	s5 =	simm.s32 $_scs_section_size  }
0x13: {  	s6 =	simm.s32 $_size__tile_overlayer_lowered;
	s7 =	simm.s32 $_tile_overlayer_lowered  }
0x14: {  	s24 =	simm.s32 $0x1BFF;
	s23 =	sshll.u32 s7, $0x1;
	s4 =	sadd.s32 s5, s21  }
0x15: {  	s8 =	simm.s32 $0x0;
	s22 =	sshll.u32 s6, $0x1;
	s6 =	sadd.s32 s23, s4  }
0x16: {  	[timem:s8], [sflag:s24] =	dma.local [hbm:s6], s22  }
0x17: {  	_ =	swait.ge [sflag:s24], s22  }
0x18: {  	s5 =	ssub.s32 $0x0, s22;
	[sflag:s24] =	ssyncset.done $0x0  }
0x19: {  	[sflag:s24] =	ssyncadd.s32 s5;
	_ =	sdelay $0x1  }
0x1a: {  	s25 =	simm.s32 $0x1B8B  }
0x1b: {  	_ =	swait.ge [sflag:s25], $0x1  }
0x1c: {  	[sflag:s25] =	ssyncset.done $0x0  }
0x1d: {  	s26 =	simm.s32 $0x1B8E;
	[sflag:s25] =	ssyncadd.s32 $0xFFFFFFFF  }
0x1e: {  	s27 =	simm.s32 $execute0_lowered;
	[smem:$0x3FD2] =	sst s26  }
0x1f: {  	s5 =	sshll.u32 s27, $0x1;
	_ =	strace $0x80000046;
	[dreg:$0x1] =	wrdreg $0xFFFFFFFF  }
0x20: {  	s28 =	simm.s32 $_size_execute0_lowered;
	s4 =	sadd.s32 s4, s5;
	[dreg:$0x0] =	wrdreg $0x0  }
0x21: {  	s5 =	sshll.u32 s28, $0x1;
	[dreg:$0x2] =	wrdreg s4  }
0x22: {  	[dreg:$0x3] =	wrdreg s5  }
0x23: {  	[dreg:$0x4] =	wrdreg $0xC0  }
0x24: {  	_ =	task [dreg:s8], $0x5FFFF  }
0x25: {  	[dreg:$0x1] =	wrdreg $0xFFFFFFFF  }
0x26: {  	[dreg:$0x0] =	wrdreg $0x60  }
0x27: {  	[dreg:$0x2] =	wrdreg s2  }
0x28: {  	[dreg:$0x3] =	wrdreg s20  }
0x29: {  	[dreg:$0x4] =	wrdreg $0x9  }
0x2a: {  	_ =	task.clear_ibuf [dreg:s8], $0x5FFFF;
	_ =	strace $0x90000046  }
0x2b: {  	s29 =	simm.s32 $0x9;
	_ =	strace $0x80000048  }
0x2c: {  	_ =	swait.ge [sflag:s29], $0x1  }
0x2d: {  	[sflag:s29] =	ssyncadd.s32 $0xFFFFFFFF  }
0x2e: {  	_ =	strace $0x90000048  }
0x2f: {  	_ =	sfence  }
0x30: {  	s30 =	sld [smem:$0x0];
	_ =	sdelay $0x2  }
0x31: {  	s31 =	sshll.u32 s1, $0xD;
	s1 =	sshrl.u32 s1, $0x2  }
0x32: {  	s3 =	sand.u32 $0x4000, s31;
	s1 =	sadd.s32 s1, s30  }
0x33: {  	s0 =	sor.u32 s3, s0;
	s1 =	sshll.u32 s1, $0x11  }
0x34: {  	s0 =	sor.u32 s1, s0  }
0x35: {  	s0 =	sadd.s32 $0x8F2B, s0  }
0x36: {  	[sflag:s0] =	ssyncadd.remote.s32 $0x1  }
0x37: {  	_ =	sfence.sel $0xFFFF  }
0x38: {  	[dreg:$0x0] =	wrdreg $0xFFFFFFFF;
	(pc) =	sbr.abs _section_cstart, $3  }
0x39: {  	[dreg:$0x1] =	wrdreg $0xFFFFFFFF  }
0x3a: {  	_ =	task.clear_ibuf [dreg:s8], $0x2FFFF;
	_ =	strace $0x9FFFFFFF  }
0x3b: {  	(tm) =	ssettm $0x7FFFFFFF  }
tec
execute0_lowered:
.L_overlay_start_1:
0x0: {  	(tag) =	ssettag $0x1  }
0x1: {  	s2 =	rddreg [dreg:$0x0]  }
0x2: {  	s3 =	rddreg [dreg:$0x1]  }
0x3: {  	s0 =	rddreg [dreg:$0x2];
	s4 =	srdreg.scid  }
.Ltmp0:
0x4: {  	_ =	strace $0x80000047;
	s1 =	stileid.u32;
	(pc) =	sbr.rel .LBB1_1-.Ltmp0, $4  }
0x5: {  	s6 =	simm.s32 $0x2;
	p0 =	por $0x0, $0x0;
	s5 =	sshll.u32 s4, $0x4  }
0x6: {  	s9 =	simm.s32 $0x0;
	s4 =	simm.s32 $0x1;
	s5 =	sand.u32 $0x10, s5  }
0x7: {  	s7 =	simm.s32 $0x0;
	[sflag:s4] =	ssyncpa.u1 $0x0;
	s5 =	sor.u32 s1, s5  }
0x8: {  	[sflag:s6] =	ssyncpa.u1 $0x0;
	s6 =	simm.s32 $0x0;
	s8 =	smov.u32 s5  }
.LBB1_7:
0x9: {  	s11 =	sadd.s32 $0x20, s8  }
0xa: {  	p1 =	slt.u32 s7, $0x2;
	s7 =	sadd.s32 $0x1, s7;
	p2 =	sgt.s32 s11, $0x3FF  }
0xb: {  	s11 =	smov.u32 @p2 s5;
	p2 =	sne.s32 s7, $0x22  }
.Ltmp1:
0xc: {  	_ = 	snop;
	(pc) =	sbr.rel @!p2 .LBB1_8-.Ltmp1, $4  }
0xd: {  	s10 =	simm.s32 @!p1 $0x2  }
0xe: {  	_ =	swait.ge @!p1 [sflag:s10], $0x4000  }
0xf: {  	s9 =	smov.u32 s8;
	[sflag:s10] =	ssyncset.done @!p1 $0x0  }
0x10: {  	p0 =	por !p0, !p0;
	s8 =	smov.u32 s11;
	[sflag:s10] =	ssyncadd.s32 @!p1 $0xFFFFC000  }
.LBB1_1:
0x11: {  	p1 =	sgt.u32 s7, $0x1F  }
0x12: {  	s10 =	sxor.u32 @!p1 $0xFFFFFFFF, s7  }
0x13: {  	s11 =	sshll.u32 @!p1 s8, $0xB;
	s10 =	sshll.u32 @!p1 s10, $0xE  }
0x14: {  	s12 =	simm.s32 @!p1 $0x0;
	s11 =	sadd.s32 @!p1 s2, s11;
	s10 =	sand.u32 @!p1 $0x4000, s10  }
0x15: {  	[tilespmem:s10], [sflag:$0x1] =	stream.linear.gather @!p1 [hbm4b:s11+s12], $0x4000, $0x38;
	[tilespmem:$0x10000] =	vst v63  }
0x16: {  	p1 =	seq.s32 s7, $0x0  }
0x17: {  	p2 =	seq.s32 @!p1 s7, $0x21  }
0x18: {  	p1 =	por p1, p2  }
.Ltmp2:
0x19: {  	_ = 	snop;
	(pc) =	sbr.rel @p1 .LBB1_7-.Ltmp2, $1  }
0x1a: {  	_ =	sdelay $0x3  }
0x1b: {  	s10 =	simm.s32 $0x1;
	_ =	swait.ge [sflag:s4], $0x4000;
	s12 =	sshll.u32 s7, $0xE  }
0x1c: {  	s13 =	simm.s32 $0x0;
	s10 =	simm.s32 @!p0 $0x0;
	[sflag:s4] =	ssyncset.done $0x0  }
0x1d: {  	s12 =	sand.u32 $0x4000, s12;
	s11 =	sshll.u32 s10, $0xE;
	[sflag:s4] =	ssyncadd.s32 $0xFFFFC000  }
0x1e: {  	s12 =	sor.u32 $0x8000, s12;
	s10 =	sor.u32 $0x8040, s11;
	s11 =	sor.u32 $0x40, s11  }
.LBB1_3:
0x1f: {  	v0 =	vmov s11;
	_ =	sdelay $0x3  }
0x20: {  	s15 =	simm.s32 $0x0  }
0x21: {  	v6 =	vld.idx.msk [tilespmem:v0+s15+$0x30 ss:$0x1], $0xffff  }
0x22: {  	v7 =	vld.idx.msk [tilespmem:v0+s15+$0xFFFFFFC0 ss:$0x1], $0xffff  }
0x23: {  	v5 =	vld.idx.msk [tilespmem:v0+s15+$0xFFFFFFD0 ss:$0x1], $0xffff  }
0x24: {  	v4 =	vld.idx.msk [tilespmem:v0+s15+$0xFFFFFFE0 ss:$0x1], $0xffff  }
0x25: {  	v3 =	vld.idx.msk [tilespmem:v0+s15+$0xFFFFFFF0 ss:$0x1], $0xffff  }
0x26: {  	v1 =	vld.idx.msk [tilespmem:v0+s15+$0x0 ss:$0x1], $0xffff  }
0x27: {  	v2 =	vld.idx.msk [tilespmem:v0+s15+$0x10 ss:$0x1], $0xffff;
	[tilespmem:s10+$0x30] =	vst v6  }
0x28: {  	s14 =	simm.s32 $0x80;
	s16 =	simm.s32 $0x400;
	[tilespmem:s10+$0xFFFFFFC0] =	vst v7;
	v6 =	vld.idx.msk [tilespmem:v0+s15+$0x20 ss:$0x1], $0xffff;
	s15 =	smov.u32 s10  }
.LBB1_4:
0x29: {  	p1 =	sne.s32 s16, $0xE00;
	v7 =	vld.idx.msk [tilespmem:v0+s14+$0x30 ss:$0x1], $0xffff;
	[tilespmem:s15+$0xFFFFFFD0] =	vst v5  }
0x2a: {  	v8 =	vld.idx.msk [tilespmem:v0+s14+$0xFFFFFFC0 ss:$0x1], $0xffff;
	[tilespmem:s15+$0xFFFFFFE0] =	vst v4  }
0x2b: {  	v5 =	vld.idx.msk [tilespmem:v0+s14+$0xFFFFFFD0 ss:$0x1], $0xffff;
	[tilespmem:s15+$0xFFFFFFF0] =	vst v3  }
.Ltmp3:
0x2c: {  	v4 =	vld.idx.msk [tilespmem:v0+s14+$0xFFFFFFE0 ss:$0x1], $0xffff;
	[tilespmem:s15+$0x0] =	vst v1;
	(pc) =	sbr.rel @p1 .LBB1_4-.Ltmp3, $4  }
0x2d: {  	v3 =	vld.idx.msk [tilespmem:v0+s14+$0xFFFFFFF0 ss:$0x1], $0xffff;
	[tilespmem:s15+$0x10] =	vst v2  }
0x2e: {  	v1 =	vld.idx.msk [tilespmem:v0+s14+$0x0 ss:$0x1], $0xffff;
	[tilespmem:s15+$0x20] =	vst v6;
	s15 =	sadd.s32 $0x800, s15  }
0x2f: {  	v2 =	vld.idx.msk [tilespmem:v0+s14+$0x10 ss:$0x1], $0xffff;
	[tilespmem:s15+$0x30] =	vst v7  }
0x30: {  	[tilespmem:s15+$0xFFFFFFC0] =	vst v8;
	v6 =	vld.idx.msk [tilespmem:v0+s14+$0x20 ss:$0x1], $0xffff;
	s14 =	sshra.s32 s16, $0x2;
	s16 =	sadd.s32 $0x200, s16  }
0x31: {  	_ =	sdelay $0x2  }
0x32: {  	[tilespmem:s15+$0xFFFFFFD0] =	vst v5  }
0x33: {  	v56 =	vld.idx.msk [tilespmem:v0+s14+$0x30 ss:$0x1], $0xffff;
	[tilespmem:s15+$0xFFFFFFE0] =	vst v4  }
0x34: {  	v57 =	vld.idx.msk [tilespmem:v0+s14+$0xFFFFFFC0 ss:$0x1], $0xffff;
	[tilespmem:s15+$0xFFFFFFF0] =	vst v3  }
0x35: {  	v58 =	vld.idx.msk [tilespmem:v0+s14+$0xFFFFFFD0 ss:$0x1], $0xffff;
	[tilespmem:s15+$0x0] =	vst v1  }
0x36: {  	v59 =	vld.idx.msk [tilespmem:v0+s14+$0xFFFFFFE0 ss:$0x1], $0xffff;
	[tilespmem:s15+$0x10] =	vst v2  }
0x37: {  	v60 =	vld.idx.msk [tilespmem:v0+s14+$0xFFFFFFF0 ss:$0x1], $0xffff;
	s31 =	sadd.s32 $0x800, s15;
	[tilespmem:s15+$0x20] =	vst v6  }
0x38: {  	v61 =	vld.idx.msk [tilespmem:v0+s14+$0x0 ss:$0x1], $0xffff;
	[tilespmem:s31+$0x30] =	vst v56  }
0x39: {  	v62 =	vld.idx.msk [tilespmem:v0+s14+$0x10 ss:$0x1], $0xffff;
	s13 =	sadd.s32 $0x1, s13;
	[tilespmem:s31+$0xFFFFFFC0] =	vst v57  }
0x3a: {  	v63 =	vld.idx.msk [tilespmem:v0+s14+$0x20 ss:$0x1], $0xffff;
	p1 =	sne.s32 s13, $0x10;
	[tilespmem:s31+$0xFFFFFFD0] =	vst v58  }
.Ltmp4:
0x3b: {  	[tilespmem:s31+$0xFFFFFFE0] =	vst v59;
	(pc) =	sbr.rel @p1 .LBB1_3-.Ltmp4, $4  }
0x3c: {  	[tilespmem:s31+$0xFFFFFFF0] =	vst v60  }
0x3d: {  	[tilespmem:s31+$0x0] =	vst v61  }
0x3e: {  	[tilespmem:s31+$0x10] =	vst v62  }
0x3f: {  	s10 =	sadd.s32 $0x80, s10;
	s11 =	sadd.s32 $0x400, s11;
	[tilespmem:s31+$0x20] =	vst v63  }
.Ltmp5:
0x40: {  	(pc) =	sbr.rel .LBB1_7-.Ltmp5, $4  }
0x41: {  	_ = 	snop  }
0x42: {  	s9 =	sshll.u32 s9, $0xB  }
0x43: {  	s9 =	sadd.s32 s3, s9  }
0x44: {  	[hbm4b:s9+s6] =	stream.linear.scatter [tilespmem:s12], [sflag:$0x2], $0x4000, $0x38;
	[tilespmem:$0x10000] =	vst v63  }
.LBB1_8:
0x45: {  	_ =	sfence.sel $0x180000  }
0x46: {  	s2 =	simm.s32 $0x1;
	[bflag:$0x0] =	sbarrier.arrive $0xFFFF  }
0x47: {  	s31 =	simm.s32 $0x2;
	[sflag:s2] =	ssyncpa.u1 $0x1  }
0x48: {  	[sflag:s31] =	ssyncpa.u1 $0x1  }
0x49: {  	p0 =	sne.s32 s1, $0x0;
	_ =	strace $0x90000047  }
0x4a: {  	s0 =	sadd.s32 @!p0 $0x100000, s0;
	[bflag:$0x2] =	sbarrier.arrive $0xFFFF  }
0x4b: {  	[sflag:s0] =	ssyncadd.tile.s32 @!p0 $0x1;
	_ =	shalt  }
.Lfunc_end1:
_tile_overlayer_lowered:
.L_overlay_start_2:
0x4c: {  	(tag) =	ssettag $0x2  }
0x4d: {  	s0 =	rddreg [dreg:$0x0];
	s2 =	stileid.u32  }
0x4e: {  	s1 =	rddreg [dreg:$0x1];
	p0 =	sne.s32 s2, $0x0  }
0x4f: {  	s3 =	rddreg [dreg:$0x2];
	[bflag:$0x3] =	sbarrier.arrive $0xFFFF;
	s2 =	simm.s32 @!p0 $0x1C01  }
0x50: {  	[timem:s3], [sflag:s2] =	dma.local @!p0 [hbm:s0], s1  }
0x51: {  	s0 =	simm.s32 @!p0 $0x1  }
0x52: {  	_ =	swait.ge @!p0 [sflag:s0], s1  }
0x53: {  	s1 =	ssub.s32 @!p0 $0x0, s1;
	[sflag:s0] =	ssyncset.done @!p0 $0x0  }
0x54: {  	[sflag:s0] =	ssyncadd.s32 @!p0 s1  }
0x55: {  	[bflag:$0x3] =	sbarrier.arrive $0xFFFF  }
0x56: {  	_ =	shalt  }

</sc_bundles>
